<compile_context>
chip_gen: v7x
topology: tpu7x:2x2x1
jax: 0.10.2.dev20260603
libtpu: 0.0.44.dev20260713+nightly
codegen_flags: <defaults>
</compile_context>

<pallas_src>
import functools

import jax
import jax.numpy as jnp
from jax import lax
from jax.experimental import pallas as pl
from jax.experimental.pallas import tpu as pltpu
from jax.experimental.pallas import tpu_sc as plsc

_B = 16384
_D = 64
_G = 16
_M = 10
_LMD = 0.5
_CHUNK = 128
_MPAD = 256


def _sc_gather(item_embed, user_embed, item_idx, member_idx, nrows,
               with_members, dep=None):
    info = plsc.get_sparse_core_info()
    nw = info.num_cores * info.num_subcores
    rows_per_w = nrows // nw
    nchunk = rows_per_w // _CHUNK
    mesh = plsc.VectorSubcoreMesh(core_axis_name="c", subcore_axis_name="s")

    slen = 64
    nstream = rows_per_w // slen
    mlen = _MPAD // 8

    out_type = [jax.ShapeDtypeStruct((nrows, 2 * _D), jnp.float32)]
    scratch = [
        pltpu.VMEM((nchunk, _CHUNK), jnp.int32),
        pltpu.VMEM((nstream, slen), jnp.int32),
        pltpu.VMEM((rows_per_w, 2 * _D), jnp.float32),
        pltpu.SemaphoreType.DMA,
    ]
    if with_members:
        out_type.append(jax.ShapeDtypeStruct((_MPAD, 2 * _D), jnp.float32))
        scratch.insert(3, pltpu.VMEM((8, mlen), jnp.int32))
        scratch.insert(4, pltpu.VMEM((mlen, 2 * _D), jnp.float32))

    @functools.partial(
        pl.kernel,
        mesh=mesh,
        out_type=tuple(out_type) if with_members else out_type[0],
        scratch_types=scratch,
    )
    def k(item_tbl, user_tbl, iidx_hbm, midx_hbm, *rest):
        if dep is not None:
            rest = rest[1:]
        if with_members:
            (out_items, out_members, iidx_v, ihalf_v, irows_v, midx_v,
             mrows_v, sem) = rest
        else:
            out_items, iidx_v, ihalf_v, irows_v, sem = rest
        wid = lax.axis_index("s") * info.num_cores + lax.axis_index("c")
        base = wid * nchunk
        pltpu.sync_copy(iidx_hbm.at[pl.ds(base, nchunk)], iidx_v)
        for jj in range(nstream):
            for kk in range(slen // 16):
                src = iidx_v[(jj * slen) // _CHUNK,
                             pl.ds((jj * slen) % _CHUNK + kk * 16, 16)]
                ihalf_v[jj, pl.ds(kk * 16, 16)] = src >> 1
        cps = []
        for jj in range(nstream):
            cps.append(pltpu.async_copy(
                item_tbl.at[ihalf_v.at[jj]],
                irows_v.at[pl.ds(jj * slen, slen)], sem))
        for cp in cps:
            cp.wait()
        pltpu.sync_copy(irows_v,
                        out_items.at[pl.ds(wid * rows_per_w, rows_per_w)])

        if with_members:
            for sid in range(8):
                @pl.when(wid == nw - 8 + sid)
                def _(sid=sid):
                    pltpu.sync_copy(midx_hbm, midx_v)
                    cp = pltpu.async_copy(user_tbl.at[midx_v.at[sid]],
                                          mrows_v, sem)
                    cp.wait()
                    pltpu.sync_copy(
                        mrows_v, out_members.at[pl.ds(sid * mlen, mlen)])

    if dep is not None:
        return k(item_embed, user_embed, item_idx, member_idx, dep)
    return k(item_embed, user_embed, item_idx, member_idx)


def _dot(a, b, dims):
    return lax.dot_general(a, b, (dims, ((), ())),
                           preferred_element_type=jnp.float32)


def _halves(rows):
    rr = lax.broadcasted_iota(jnp.int32, (2 * _D, _D), 0)
    cc = lax.broadcasted_iota(jnp.int32, (2 * _D, _D), 1)
    lo_sel = (rr == cc).astype(jnp.float32)
    hi_sel = (rr == cc + _D).astype(jnp.float32)
    return (_dot(rows, lo_sel, ((1,), (0,))),
            _dot(rows, hi_sel, ((1,), (0,))))


def _dense_body(item_ref, ip_ref, u_ref, mem_ref, mp_ref, mask_ref, ge_ref,
                w1m_ref, w1i_ref, b1_ref, w2_ref, b2_ref, pa_ref, pb_ref,
                pc_ref, pb1_ref, pw2_ref, pb2_ref, out_ref):
    f32 = jnp.float32
    mg = _M * _G
    bb = item_ref.shape[0]
    rows16 = bb // 128
    erow = lax.broadcasted_iota(jnp.int32, (bb, rows16), 0) // 128
    ecol = lax.broadcasted_iota(jnp.int32, (bb, rows16), 1)
    emat = (erow == ecol).astype(f32)
    srow = lax.broadcasted_iota(jnp.int32, (bb, 128), 0)
    scol = lax.broadcasted_iota(jnp.int32, (bb, 128), 1)
    lmask = (scol == srow % 128).astype(f32)

    def _extract(block_f32):
        spread = _dot(emat, block_f32, ((1,), (0,)))
        return jnp.sum(spread * lmask, axis=1, keepdims=True)

    raw_ip = ip_ref[...]
    ip = _extract((raw_ip & 1).astype(f32))
    ug = _extract(u_ref[...].astype(f32))

    ilo, ihi = _halves(item_ref[...])
    item = ilo * (1.0 - ip) + ihi * ip
    gids = lax.broadcasted_iota(jnp.int32, (1, _G), 1).astype(f32)
    onehot = (ug == gids).astype(f32)

    hi = _dot(item, w1i_ref[...], ((1,), (1,))) + b1_ref[...]

    mlo, mhi = _halves(mem_ref[...])
    mp = mp_ref[...]
    mem = mlo * (1.0 - mp) + mhi * mp
    mem160 = mem[:mg, :]
    pre_all = _dot(mem160, w1m_ref[...], ((1,), (1,)))

    col = lax.broadcasted_iota(jnp.int32, (_G, mg), 1)
    row = lax.broadcasted_iota(jnp.int32, (_G, mg), 0)
    otile = (col % _G == row).astype(f32)
    expand = (col // _G == row).astype(f32)

    oht = _dot(onehot, otile, ((1,), (0,)))
    hit = _dot(hi, otile, ((1,), (0,)))
    pre_tiled = _dot(pre_all, otile, ((1,), (0,)))
    rr = lax.broadcasted_iota(jnp.int32, (mg, mg), 0)
    cc = lax.broadcasted_iota(jnp.int32, (mg, mg), 1)
    bd = (rr // _G == cc // _G).astype(f32)
    x = _dot(oht, pre_tiled * bd, ((1,), (0,))) + hit
    h_act = jnp.maximum(x, 0.0)

    w2t = _dot(w2_ref[...], otile, ((1,), (0,)))
    w2cat = expand * w2t
    logits = _dot(h_act, w2cat, ((1,), (1,))) + b2_ref[0, 0]
    logits = jnp.clip(logits, -50.0, 50.0)

    mq = _dot(onehot, mask_ref[...], ((1,), (0,)))
    wgt = jnp.exp(logits) * mq
    wgt = wgt / jnp.sum(wgt, axis=1, keepdims=True)

    woh = _dot(wgt, expand, ((1,), (0,))) * oht
    g_att = _dot(woh, mem160, ((1,), (0,)))
    ge = _dot(onehot, ge_ref[...], ((1,), (0,)))
    g = _LMD * g_att + ge

    gi = g * item
    hp = (_dot(gi, pa_ref[...], ((1,), (1,)))
          + _dot(g, pb_ref[...], ((1,), (1,)))
          + _dot(item, pc_ref[...], ((1,), (1,)))
          + pb1_ref[...])
    hp = jnp.maximum(hp, 0.0)
    preds_rep = _dot(hp, pw2_ref[...], ((1,), (1,))) + pb2_ref[0, 0]
    out_ref[...] = _dot(emat, preds_rep * lmask, ((0,), (0,)))


def _dense_specs(block_b):
    full = lambda shape: pl.BlockSpec(shape, lambda i: (0, 0))
    smem = pl.BlockSpec(memory_space=pltpu.SMEM)
    rows16 = block_b // 128
    in_specs = [
        pl.BlockSpec((block_b, 2 * _D), lambda i: (i, 0)),
        pl.BlockSpec((rows16, 128), lambda i: (i, 0)),
        pl.BlockSpec((rows16, 128), lambda i: (i, 0)),
        full((_MPAD, 2 * _D)),
        full((_MPAD, 1)),
        full((_G, _G)),
        full((_G, _D)),
        full((16, _D)),
        full((16, _D)),
        full((1, 16)),
        full((1, 16)),
        smem,
        full((8, _D)),
        full((8, _D)),
        full((8, _D)),
        full((1, 8)),
        full((128, 8)),
        smem,
    ]
    out_specs = pl.BlockSpec((rows16, 128), lambda i: (i, 0))
    return in_specs, out_specs


def _dense_call(item_rows, ipar, u2d, member_rows, mpar, mask_pad,
                group_embed, w1m, w1i, b1_2d, att_w2, b2_2d, pw1a, pw1b,
                pw1c, pb1_2d, pw2, pb2_2d, block_b=2048):
    bsz = item_rows.shape[0]
    nblk = bsz // block_b
    in_specs, out_specs = _dense_specs(block_b)
    return pl.pallas_call(
        _dense_body,
        grid=(nblk,),
        in_specs=in_specs,
        out_specs=out_specs,
        out_shape=jax.ShapeDtypeStruct((bsz // 128, 128), jnp.float32),
    )(item_rows, ipar, u2d, member_rows, mpar, mask_pad, group_embed, w1m,
      w1i, b1_2d, att_w2, b2_2d, pw1a, pw1b, pw1c, pb1_2d, pw2, pb2_2d)


def kernel(user_inputs, item_inputs, user_embed, item_embed, group_embed,
           att_W1, att_b1, att_W2, att_b2, pred_W1, pred_b1, pred_W2,
           pred_b2, member_table, member_mask):
    item_tbl2 = item_embed.reshape(-1, 2 * _D)
    user_tbl2 = user_embed.reshape(-1, 2 * _D)
    item_idx = item_inputs.reshape(_B // _CHUNK, _CHUNK)
    ipar = item_idx
    midx_flat = member_table.T.reshape(-1)
    midx_pad = jnp.concatenate(
        [midx_flat, jnp.zeros((_MPAD - midx_flat.shape[0],), jnp.int32)])
    midx = (midx_pad // 2).reshape(8, _MPAD // 8)
    mpar = (midx_pad % 2).astype(jnp.float32).reshape(_MPAD, 1)

    half = _B // 2
    hrows = half // _CHUNK
    item_rows1, member_rows = _sc_gather(
        item_tbl2, user_tbl2, item_idx[:hrows], midx, half, True)
    item_rows2 = _sc_gather(
        item_tbl2, user_tbl2, item_idx[hrows:], midx, half, False)

    u2d = user_inputs.reshape(_B // _CHUNK, _CHUNK)
    mask_pad = jnp.concatenate(
        [member_mask, jnp.zeros((_G, _G - _M), jnp.float32)], axis=1)
    w1m = att_W1[:, :_D]
    w1i = att_W1[:, _D:]
    b1_2d = att_b1.reshape(1, 16)
    b2_2d = att_b2.reshape(1, 1)
    pw1a = pred_W1[:, :_D]
    pw1b = pred_W1[:, _D:2 * _D]
    pw1c = pred_W1[:, 2 * _D:]
    pb1_2d = pred_b1.reshape(1, 8)
    pw2rep = jnp.tile(pred_W2, (128, 1))
    pb2_2d = pred_b2.reshape(1, 1)

    shared = (member_rows, mpar, mask_pad, group_embed, w1m, w1i, b1_2d,
              att_W2, b2_2d, pw1a, pw1b, pw1c, pb1_2d, pw2rep, pb2_2d)
    out1 = _dense_call(item_rows1, ipar[:hrows], u2d[:hrows], *shared)
    out2 = _dense_call(item_rows2, ipar[hrows:], u2d[hrows:], *shared)
    out2d = jnp.concatenate([out1, out2], axis=0)
    return out2d.reshape(_B, 1)

# --- scband reference (transcript-rebuilt; emitter-appended) ---
"""Pipeline reference for scband-agree-1769526526109 (READ-ONLY COPY).

The authoritative reference and input builder live on the scoring server;
editing this copy changes nothing except your own understanding.
"""

import jax, jax.numpy as jnp
import numpy as np

GROUP_MEMBERS = [[3,17,845,12345,67890,99999],[101,202,303,404],[555,666,777,888,999,1111,2222],[12,34,56,78,90,123,456,789,1011,1213],[5000,6000,7000,8000,9000],[11111,22222,33333,44444],[1,2,3,4,5,6,7,8],[98765,87654,76543,65432,54321,43210],[13579,24680,11223,44556,77889],[100,200,300,400,500,600,700],[42,4242,424,24,2424,4224,2442,4422,2244],[9999,8888,7777,6666],[15000,25000,35000,45000,55000,65000],[321,654,987,1234,4321],[10,20,30,40,50,60,70,80,90,99],[31415,92653,58979,32384,62643,38327,95028]]
NUM_USERS = 100000
NUM_ITEMS = 100000
NUM_GROUPS = 16
D = 64
LMD = 0.5
B = 16384


def _pad_members():
    mx = max(len(g) for g in GROUP_MEMBERS)
    tbl = np.zeros((len(GROUP_MEMBERS), mx), dtype=np.int32)
    msk = np.zeros((len(GROUP_MEMBERS), mx), dtype=np.float32)
    for i, g in enumerate(GROUP_MEMBERS):
        tbl[i, :len(g)] = np.asarray(g, dtype=np.int32)
        msk[i, :len(g)] = 1.0
    return jnp.asarray(tbl), jnp.asarray(msk)


def setup_inputs(seed: int = 0):
    key = jax.random.key(seed)
    ks = jax.random.split(key, 16)
    member_table, member_mask = _pad_members()
    return {
        'user_inputs': jax.random.randint(ks[0], (B,), 0, NUM_GROUPS, dtype=jnp.int32),
        'item_inputs': jax.random.randint(ks[1], (B,), 0, NUM_ITEMS, dtype=jnp.int32),
        'user_embed': jax.random.normal(ks[2], (NUM_USERS, D), dtype=jnp.float32) * 0.05,
        'item_embed': jax.random.normal(ks[3], (NUM_ITEMS, D), dtype=jnp.float32) * 0.05,
        'group_embed': jax.random.normal(ks[4], (NUM_GROUPS, D), dtype=jnp.float32) * 0.05,
        'att_W1': jax.random.normal(ks[5], (16, 2 * D), dtype=jnp.float32) * 0.05,
        'att_b1': jnp.zeros((16,), dtype=jnp.float32),
        'att_W2': jax.random.normal(ks[6], (1, 16), dtype=jnp.float32) * 0.05,
        'att_b2': jnp.zeros((1,), dtype=jnp.float32),
        'pred_W1': jax.random.normal(ks[7], (8, 3 * D), dtype=jnp.float32) * 0.05,
        'pred_b1': jnp.zeros((8,), dtype=jnp.float32),
        'pred_W2': jax.random.normal(ks[8], (1, 8), dtype=jnp.float32) * 0.05,
        'pred_b2': jnp.zeros((1,), dtype=jnp.float32),
        'member_table': member_table,
        'member_mask': member_mask,
    }


def reference(user_inputs, item_inputs, user_embed, item_embed, group_embed, att_W1, att_b1, att_W2, att_b2, pred_W1, pred_b1, pred_W2, pred_b2, member_table, member_mask):
    # type_m == 'group' branch of AGREE.forward
    item_full = jnp.take(item_embed, item_inputs, axis=0)          # [B, D]
    group_full = jnp.take(group_embed, user_inputs, axis=0)        # [B, D]
    menb_ids = jnp.take(member_table, user_inputs, axis=0)         # [B, M]
    mask = jnp.take(member_mask, user_inputs, axis=0)              # [B, M]
    item_ids = jnp.where(mask > 0, item_inputs[:, None], 0)        # [B, M]
    menb_emb = jnp.take(user_embed, menb_ids, axis=0) * mask[..., None]   # [B, M, D]
    item_emb = jnp.take(item_embed, item_ids, axis=0) * mask[..., None]   # [B, M, D]
    mi = jnp.concatenate([menb_emb, item_emb], axis=-1)            # [B, M, 2D]
    h = jax.nn.relu(jnp.einsum('bmc,hc->bmh', mi, att_W1) + att_b1)
    logits = (jnp.einsum('bmh,oh->bmo', h, att_W2) + att_b2)[..., 0]
    logits = jnp.clip(logits, -50.0, 50.0)
    w = jnp.exp(logits) * mask
    w = w / jnp.sum(w, axis=-1, keepdims=True)
    g_att = jnp.einsum('bm,bmd->bd', w, menb_emb)
    g = LMD * g_att + group_full
    new = jnp.concatenate([g * item_full, g, item_full], axis=1)   # [B, 3D]
    hp = jax.nn.relu(new @ pred_W1.T + pred_b1)
    preds = hp @ pred_W2.T + pred_b2
    return preds


if False:  # reference __main__ guard neutralized (emitter)
    out = reference(**setup_inputs())
    print(out.shape)

if __name__ == "__main__":
    import jax
    _d = setup_inputs()
    print(jax.jit(kernel)(*tuple(_d.values())))

</pallas_src>

<mosaic_0001>
#map = affine_map<(d0, d1) -> (0, 0)>
module attributes {stable_mosaic.version = 14 : i64} {
  func.func @k(%arg0: i32, %arg1: i32, %arg2: memref<50000x128xf32, #tpu.memory_space<hbm>>, %arg3: memref<50000x128xf32, #tpu.memory_space<hbm>>, %arg4: memref<64x128xi32, #tpu.memory_space<hbm>>, %arg5: memref<8x32xi32, #tpu.memory_space<hbm>>, %arg6: memref<8192x128xf32, #tpu.memory_space<hbm>>, %arg7: memref<2x128xi32, #tpu.memory_space<vmem>>, %arg8: memref<4x64xi32, #tpu.memory_space<vmem>>, %arg9: memref<256x128xf32, #tpu.memory_space<vmem>>, %arg10: memref<!tpu.dma_semaphore, #tpu.memory_space<semaphore_mem>>) attributes {dimension_semantics = [#tpu.dimension_semantics<core_parallel>, #tpu.dimension_semantics<subcore_parallel>], iteration_bounds = array<i64: 2, 16>, scalar_prefetch = 0 : i64, scratch_operands = 4 : i64, tpu.core_type = #tpu.core_type<sc_vector_subcore>, window_params = [{transform_indices = #map}, {transform_indices = #map}, {transform_indices = #map}, {transform_indices = #map}, {transform_indices = #map}]} {
    %mul3A = arith.constant 2 : i32
    %mul3A_0 = arith.muli %arg1, %mul3A : i32
    %add3A = arith.addi %mul3A_0, %arg0 : i32
    %mul3A_1 = arith.constant 2 : i32
    %mul3A_2 = arith.muli %add3A, %mul3A_1 : i32
    "tpu.region"() ({
      %run_scoped3A = tpu.sem_alloc : memref<!tpu.dma_semaphore, #tpu.memory_space<semaphore_mem>>
      %dma_start3A_304 = arith.constant 0 : i32
      %dma_start3A_305 = tpu.memref_slice %arg4[%mul3A_2, %dma_start3A_304] : memref<64x128xi32, #tpu.memory_space<hbm>> -> memref<2x128xi32, #tpu.memory_space<hbm>>
      %dma_start3A_306 = arith.constant 0 : i32
      %dma_start3A_307 = tpu.memref_slice %arg4[%mul3A_2, %dma_start3A_306] : memref<64x128xi32, #tpu.memory_space<hbm>> -> memref<2x128xi32, #tpu.memory_space<hbm>>
      tpu.enqueue_dma source(%dma_start3A_307 : memref<2x128xi32, #tpu.memory_space<hbm>>) target(%arg7 : memref<2x128xi32, #tpu.memory_space<vmem>>) target_semaphore(%run_scoped3A : memref<!tpu.dma_semaphore, #tpu.memory_space<semaphore_mem>>)
      %dma_wait3A_308 = arith.constant 0 : i32
      %dma_wait3A_309 = tpu.memref_slice %arg4[%mul3A_2, %dma_wait3A_308] : memref<64x128xi32, #tpu.memory_space<hbm>> -> memref<2x128xi32, #tpu.memory_space<hbm>>
      %dma_wait3A_310 = arith.constant 0 : i32
      %dma_wait3A_311 = tpu.memref_slice %arg4[%mul3A_2, %dma_wait3A_310] : memref<64x128xi32, #tpu.memory_space<hbm>> -> memref<2x128xi32, #tpu.memory_space<hbm>>
      tpu.wait_dma2 semaphore(%run_scoped3A : memref<!tpu.dma_semaphore, #tpu.memory_space<semaphore_mem>>) src(%dma_wait3A_311 : memref<2x128xi32, #tpu.memory_space<hbm>>) dst(%arg7 : memref<2x128xi32, #tpu.memory_space<vmem>>)
      tpu.yield
    }) : () -> ()
    %get3A = arith.constant 0 : i32
    %get3A_3 = arith.index_cast %get3A : i32 to index
    %get3A_4 = arith.constant 0 : index
    %get3A_5 = tpu.vector_load %arg7[%get3A_3, %get3A_4] {strides = array<i32>} : memref<2x128xi32, #tpu.memory_space<vmem>>, vector<1x16xi32>,
    %get3A_6 = vector.shape_cast %get3A_5 : vector<1x16xi32> to vector<16xi32>
    %shift_right_arithmetic3A = arith.constant 1 : i32
    %shift_right_arithmetic3A_7 = vector.broadcast %shift_right_arithmetic3A : i32 to vector<16xi32>
    %shift_right_arithmetic3A_8 = arith.shrsi %get3A_6, %shift_right_arithmetic3A_7 : vector<16xi32>
    %swap3A = arith.constant 0 : i32
    %swap3A_9 = arith.index_cast %swap3A : i32 to index
    %swap3A_10 = arith.constant 0 : index
    %swap3A_11 = tpu.vector_load %arg8[%swap3A_9, %swap3A_10] {strides = array<i32>} : memref<4x64xi32, #tpu.memory_space<vmem>>, vector<1x16xi32>,
    %swap3A_12 = vector.shape_cast %swap3A_11 : vector<1x16xi32> to vector<16xi32>
    %swap3A_13 = vector.shape_cast %shift_right_arithmetic3A_8 : vector<16xi32> to vector<1x16xi32>
    tpu.vector_store %arg8[%swap3A_9, %swap3A_10], %swap3A_13 {strides = array<i32>} : memref<4x64xi32, #tpu.memory_space<vmem>>, vector<1x16xi32>,
    %get3A_14 = arith.constant 0 : i32
    %get3A_15 = arith.index_cast %get3A_14 : i32 to index
    %get3A_16 = arith.constant 16 : index
    %get3A_17 = tpu.vector_load %arg7[%get3A_15, %get3A_16] {strides = array<i32>} : memref<2x128xi32, #tpu.memory_space<vmem>>, vector<1x16xi32>,
    %get3A_18 = vector.shape_cast %get3A_17 : vector<1x16xi32> to vector<16xi32>
    %shift_right_arithmetic3A_19 = arith.constant 1 : i32
    %shift_right_arithmetic3A_20 = vector.broadcast %shift_right_arithmetic3A_19 : i32 to vector<16xi32>
    %shift_right_arithmetic3A_21 = arith.shrsi %get3A_18, %shift_right_arithmetic3A_20 : vector<16xi32>
    %swap3A_22 = arith.constant 0 : i32
    %swap3A_23 = arith.index_cast %swap3A_22 : i32 to index
    %swap3A_24 = arith.constant 16 : index
    %swap3A_25 = tpu.vector_load %arg8[%swap3A_23, %swap3A_24] {strides = array<i32>} : memref<4x64xi32, #tpu.memory_space<vmem>>, vector<1x16xi32>,
    %swap3A_26 = vector.shape_cast %swap3A_25 : vector<1x16xi32> to vector<16xi32>
    %swap3A_27 = vector.shape_cast %shift_right_arithmetic3A_21 : vector<16xi32> to vector<1x16xi32>
    tpu.vector_store %arg8[%swap3A_23, %swap3A_24], %swap3A_27 {strides = array<i32>} : memref<4x64xi32, #tpu.memory_space<vmem>>, vector<1x16xi32>,
    %get3A_28 = arith.constant 0 : i32
    %get3A_29 = arith.index_cast %get3A_28 : i32 to index
    %get3A_30 = arith.constant 32 : index
    %get3A_31 = tpu.vector_load %arg7[%get3A_29, %get3A_30] {strides = array<i32>} : memref<2x128xi32, #tpu.memory_space<vmem>>, vector<1x16xi32>,
    %get3A_32 = vector.shape_cast %get3A_31 : vector<1x16xi32> to vector<16xi32>
    %shift_right_arithmetic3A_33 = arith.constant 1 : i32
    %shift_right_arithmetic3A_34 = vector.broadcast %shift_right_arithmetic3A_33 : i32 to vector<16xi32>
    %shift_right_arithmetic3A_35 = arith.shrsi %get3A_32, %shift_right_arithmetic3A_34 : vector<16xi32>
    %swap3A_36 = arith.constant 0 : i32
    %swap3A_37 = arith.index_cast %swap3A_36 : i32 to index
    %swap3A_38 = arith.constant 32 : index
    %swap3A_39 = tpu.vector_load %arg8[%swap3A_37, %swap3A_38] {strides = array<i32>} : memref<4x64xi32, #tpu.memory_space<vmem>>, vector<1x16xi32>,
    %swap3A_40 = vector.shape_cast %swap3A_39 : vector<1x16xi32> to vector<16xi32>
    %swap3A_41 = vector.shape_cast %shift_right_arithmetic3A_35 : vector<16xi32> to vector<1x16xi32>
    tpu.vector_store %arg8[%swap3A_37, %swap3A_38], %swap3A_41 {strides = array<i32>} : memref<4x64xi32, #tpu.memory_space<vmem>>, vector<1x16xi32>,
    %get3A_42 = arith.constant 0 : i32
    %get3A_43 = arith.index_cast %get3A_42 : i32 to index
    %get3A_44 = arith.constant 48 : index
    %get3A_45 = tpu.vector_load %arg7[%get3A_43, %get3A_44] {strides = array<i32>} : memref<2x128xi32, #tpu.memory_space<vmem>>, vector<1x16xi32>,
    %get3A_46 = vector.shape_cast %get3A_45 : vector<1x16xi32> to vector<16xi32>
    %shift_right_arithmetic3A_47 = arith.constant 1 : i32
    %shift_right_arithmetic3A_48 = vector.broadcast %shift_right_arithmetic3A_47 : i32 to vector<16xi32>
    %shift_right_arithmetic3A_49 = arith.shrsi %get3A_46, %shift_right_arithmetic3A_48 : vector<16xi32>
    %swap3A_50 = arith.constant 0 : i32
    %swap3A_51 = arith.index_cast %swap3A_50 : i32 to index
    %swap3A_52 = arith.constant 48 : index
    %swap3A_53 = tpu.vector_load %arg8[%swap3A_51, %swap3A_52] {strides = array<i32>} : memref<4x64xi32, #tpu.memory_space<vmem>>, vector<1x16xi32>,
    %swap3A_54 = vector.shape_cast %swap3A_53 : vector<1x16xi32> to vector<16xi32>
    %swap3A_55 = vector.shape_cast %shift_right_arithmetic3A_49 : vector<16xi32> to vector<1x16xi32>
    tpu.vector_store %arg8[%swap3A_51, %swap3A_52], %swap3A_55 {strides = array<i32>} : memref<4x64xi32, #tpu.memory_space<vmem>>, vector<1x16xi32>,
    %get3A_56 = arith.constant 0 : i32
    %get3A_57 = arith.index_cast %get3A_56 : i32 to index
    %get3A_58 = arith.constant 64 : index
    %get3A_59 = tpu.vector_load %arg7[%get3A_57, %get3A_58] {strides = array<i32>} : memref<2x128xi32, #tpu.memory_space<vmem>>, vector<1x16xi32>,
    %get3A_60 = vector.shape_cast %get3A_59 : vector<1x16xi32> to vector<16xi32>
    %shift_right_arithmetic3A_61 = arith.constant 1 : i32
    %shift_right_arithmetic3A_62 = vector.broadcast %shift_right_arithmetic3A_61 : i32 to vector<16xi32>
    %shift_right_arithmetic3A_63 = arith.shrsi %get3A_60, %shift_right_arithmetic3A_62 : vector<16xi32>
    %swap3A_64 = arith.constant 1 : i32
    %swap3A_65 = arith.index_cast %swap3A_64 : i32 to index
    %swap3A_66 = arith.constant 0 : index
    %swap3A_67 = tpu.vector_load %arg8[%swap3A_65, %swap3A_66] {strides = array<i32>} : memref<4x64xi32, #tpu.memory_space<vmem>>, vector<1x16xi32>,
    %swap3A_68 = vector.shape_cast %swap3A_67 : vector<1x16xi32> to vector<16xi32>
    %swap3A_69 = vector.shape_cast %shift_right_arithmetic3A_63 : vector<16xi32> to vector<1x16xi32>
    tpu.vector_store %arg8[%swap3A_65, %swap3A_66], %swap3A_69 {strides = array<i32>} : memref<4x64xi32, #tpu.memory_space<vmem>>, vector<1x16xi32>,
    %get3A_70 = arith.constant 0 : i32
    %get3A_71 = arith.index_cast %get3A_70 : i32 to index
    %get3A_72 = arith.constant 80 : index
    %get3A_73 = tpu.vector_load %arg7[%get3A_71, %get3A_72] {strides = array<i32>} : memref<2x128xi32, #tpu.memory_space<vmem>>, vector<1x16xi32>,
    %get3A_74 = vector.shape_cast %get3A_73 : vector<1x16xi32> to vector<16xi32>
    %shift_right_arithmetic3A_75 = arith.constant 1 : i32
    %shift_right_arithmetic3A_76 = vector.broadcast %shift_right_arithmetic3A_75 : i32 to vector<16xi32>
    %shift_right_arithmetic3A_77 = arith.shrsi %get3A_74, %shift_right_arithmetic3A_76 : vector<16xi32>
    %swap3A_78 = arith.constant 1 : i32
    %swap3A_79 = arith.index_cast %swap3A_78 : i32 to index
    %swap3A_80 = arith.constant 16 : index
    %swap3A_81 = tpu.vector_load %arg8[%swap3A_79, %swap3A_80] {strides = array<i32>} : memref<4x64xi32, #tpu.memory_space<vmem>>, vector<1x16xi32>,
    %swap3A_82 = vector.shape_cast %swap3A_81 : vector<1x16xi32> to vector<16xi32>
    %swap3A_83 = vector.shape_cast %shift_right_arithmetic3A_77 : vector<16xi32> to vector<1x16xi32>
    tpu.vector_store %arg8[%swap3A_79, %swap3A_80], %swap3A_83 {strides = array<i32>} : memref<4x64xi32, #tpu.memory_space<vmem>>, vector<1x16xi32>,
    %get3A_84 = arith.constant 0 : i32
    %get3A_85 = arith.index_cast %get3A_84 : i32 to index
    %get3A_86 = arith.constant 96 : index
    %get3A_87 = tpu.vector_load %arg7[%get3A_85, %get3A_86] {strides = array<i32>} : memref<2x128xi32, #tpu.memory_space<vmem>>, vector<1x16xi32>,
    %get3A_88 = vector.shape_cast %get3A_87 : vector<1x16xi32> to vector<16xi32>
    %shift_right_arithmetic3A_89 = arith.constant 1 : i32
    %shift_right_arithmetic3A_90 = vector.broadcast %shift_right_arithmetic3A_89 : i32 to vector<16xi32>
    %shift_right_arithmetic3A_91 = arith.shrsi %get3A_88, %shift_right_arithmetic3A_90 : vector<16xi32>
    %swap3A_92 = arith.constant 1 : i32
    %swap3A_93 = arith.index_cast %swap3A_92 : i32 to index
    %swap3A_94 = arith.constant 32 : index
    %swap3A_95 = tpu.vector_load %arg8[%swap3A_93, %swap3A_94] {strides = array<i32>} : memref<4x64xi32, #tpu.memory_space<vmem>>, vector<1x16xi32>,
    %swap3A_96 = vector.shape_cast %swap3A_95 : vector<1x16xi32> to vector<16xi32>
    %swap3A_97 = vector.shape_cast %shift_right_arithmetic3A_91 : vector<16xi32> to vector<1x16xi32>
    tpu.vector_store %arg8[%swap3A_93, %swap3A_94], %swap3A_97 {strides = array<i32>} : memref<4x64xi32, #tpu.memory_space<vmem>>, vector<1x16xi32>,
    %get3A_98 = arith.constant 0 : i32
    %get3A_99 = arith.index_cast %get3A_98 : i32 to index
    %get3A_100 = arith.constant 112 : index
    %get3A_101 = tpu.vector_load %arg7[%get3A_99, %get3A_100] {strides = array<i32>} : memref<2x128xi32, #tpu.memory_space<vmem>>, vector<1x16xi32>,
    %get3A_102 = vector.shape_cast %get3A_101 : vector<1x16xi32> to vector<16xi32>
    %shift_right_arithmetic3A_103 = arith.constant 1 : i32
    %shift_right_arithmetic3A_104 = vector.broadcast %shift_right_arithmetic3A_103 : i32 to vector<16xi32>
    %shift_right_arithmetic3A_105 = arith.shrsi %get3A_102, %shift_right_arithmetic3A_104 : vector<16xi32>
    %swap3A_106 = arith.constant 1 : i32
    %swap3A_107 = arith.index_cast %swap3A_106 : i32 to index
    %swap3A_108 = arith.constant 48 : index
    %swap3A_109 = tpu.vector_load %arg8[%swap3A_107, %swap3A_108] {strides = array<i32>} : memref<4x64xi32, #tpu.memory_space<vmem>>, vector<1x16xi32>,
    %swap3A_110 = vector.shape_cast %swap3A_109 : vector<1x16xi32> to vector<16xi32>
    %swap3A_111 = vector.shape_cast %shift_right_arithmetic3A_105 : vector<16xi32> to vector<1x16xi32>
    tpu.vector_store %arg8[%swap3A_107, %swap3A_108], %swap3A_111 {strides = array<i32>} : memref<4x64xi32, #tpu.memory_space<vmem>>, vector<1x16xi32>,
    %get3A_112 = arith.constant 1 : i32
    %get3A_113 = arith.index_cast %get3A_112 : i32 to index
    %get3A_114 = arith.constant 0 : index
    %get3A_115 = tpu.vector_load %arg7[%get3A_113, %get3A_114] {strides = array<i32>} : memref<2x128xi32, #tpu.memory_space<vmem>>, vector<1x16xi32>,
    %get3A_116 = vector.shape_cast %get3A_115 : vector<1x16xi32> to vector<16xi32>
    %shift_right_arithmetic3A_117 = arith.constant 1 : i32
    %shift_right_arithmetic3A_118 = vector.broadcast %shift_right_arithmetic3A_117 : i32 to vector<16xi32>
    %shift_right_arithmetic3A_119 = arith.shrsi %get3A_116, %shift_right_arithmetic3A_118 : vector<16xi32>
    %swap3A_120 = arith.constant 2 : i32
    %swap3A_121 = arith.index_cast %swap3A_120 : i32 to index
    %swap3A_122 = arith.constant 0 : index
    %swap3A_123 = tpu.vector_load %arg8[%swap3A_121, %swap3A_122] {strides = array<i32>} : memref<4x64xi32, #tpu.memory_space<vmem>>, vector<1x16xi32>,
    %swap3A_124 = vector.shape_cast %swap3A_123 : vector<1x16xi32> to vector<16xi32>
    %swap3A_125 = vector.shape_cast %shift_right_arithmetic3A_119 : vector<16xi32> to vector<1x16xi32>
    tpu.vector_store %arg8[%swap3A_121, %swap3A_122], %swap3A_125 {strides = array<i32>} : memref<4x64xi32, #tpu.memory_space<vmem>>, vector<1x16xi32>,
    %get3A_126 = arith.constant 1 : i32
    %get3A_127 = arith.index_cast %get3A_126 : i32 to index
    %get3A_128 = arith.constant 16 : index
    %get3A_129 = tpu.vector_load %arg7[%get3A_127, %get3A_128] {strides = array<i32>} : memref<2x128xi32, #tpu.memory_space<vmem>>, vector<1x16xi32>,
    %get3A_130 = vector.shape_cast %get3A_129 : vector<1x16xi32> to vector<16xi32>
    %shift_right_arithmetic3A_131 = arith.constant 1 : i32
    %shift_right_arithmetic3A_132 = vector.broadcast %shift_right_arithmetic3A_131 : i32 to vector<16xi32>
    %shift_right_arithmetic3A_133 = arith.shrsi %get3A_130, %shift_right_arithmetic3A_132 : vector<16xi32>
    %swap3A_134 = arith.constant 2 : i32
    %swap3A_135 = arith.index_cast %swap3A_134 : i32 to index
    %swap3A_136 = arith.constant 16 : index
    %swap3A_137 = tpu.vector_load %arg8[%swap3A_135, %swap3A_136] {strides = array<i32>} : memref<4x64xi32, #tpu.memory_space<vmem>>, vector<1x16xi32>,
    %swap3A_138 = vector.shape_cast %swap3A_137 : vector<1x16xi32> to vector<16xi32>
    %swap3A_139 = vector.shape_cast %shift_right_arithmetic3A_133 : vector<16xi32> to vector<1x16xi32>
    tpu.vector_store %arg8[%swap3A_135, %swap3A_136], %swap3A_139 {strides = array<i32>} : memref<4x64xi32, #tpu.memory_space<vmem>>, vector<1x16xi32>,
    %get3A_140 = arith.constant 1 : i32
    %get3A_141 = arith.index_cast %get3A_140 : i32 to index
    %get3A_142 = arith.constant 32 : index
    %get3A_143 = tpu.vector_load %arg7[%get3A_141, %get3A_142] {strides = array<i32>} : memref<2x128xi32, #tpu.memory_space<vmem>>, vector<1x16xi32>,
    %get3A_144 = vector.shape_cast %get3A_143 : vector<1x16xi32> to vector<16xi32>
    %shift_right_arithmetic3A_145 = arith.constant 1 : i32
    %shift_right_arithmetic3A_146 = vector.broadcast %shift_right_arithmetic3A_145 : i32 to vector<16xi32>
    %shift_right_arithmetic3A_147 = arith.shrsi %get3A_144, %shift_right_arithmetic3A_146 : vector<16xi32>
    %swap3A_148 = arith.constant 2 : i32
    %swap3A_149 = arith.index_cast %swap3A_148 : i32 to index
    %swap3A_150 = arith.constant 32 : index
    %swap3A_151 = tpu.vector_load %arg8[%swap3A_149, %swap3A_150] {strides = array<i32>} : memref<4x64xi32, #tpu.memory_space<vmem>>, vector<1x16xi32>,
    %swap3A_152 = vector.shape_cast %swap3A_151 : vector<1x16xi32> to vector<16xi32>
    %swap3A_153 = vector.shape_cast %shift_right_arithmetic3A_147 : vector<16xi32> to vector<1x16xi32>
    tpu.vector_store %arg8[%swap3A_149, %swap3A_150], %swap3A_153 {strides = array<i32>} : memref<4x64xi32, #tpu.memory_space<vmem>>, vector<1x16xi32>,
    %get3A_154 = arith.constant 1 : i32
    %get3A_155 = arith.index_cast %get3A_154 : i32 to index
    %get3A_156 = arith.constant 48 : index
    %get3A_157 = tpu.vector_load %arg7[%get3A_155, %get3A_156] {strides = array<i32>} : memref<2x128xi32, #tpu.memory_space<vmem>>, vector<1x16xi32>,
    %get3A_158 = vector.shape_cast %get3A_157 : vector<1x16xi32> to vector<16xi32>
    %shift_right_arithmetic3A_159 = arith.constant 1 : i32
    %shift_right_arithmetic3A_160 = vector.broadcast %shift_right_arithmetic3A_159 : i32 to vector<16xi32>
    %shift_right_arithmetic3A_161 = arith.shrsi %get3A_158, %shift_right_arithmetic3A_160 : vector<16xi32>
    %swap3A_162 = arith.constant 2 : i32
    %swap3A_163 = arith.index_cast %swap3A_162 : i32 to index
    %swap3A_164 = arith.constant 48 : index
    %swap3A_165 = tpu.vector_load %arg8[%swap3A_163, %swap3A_164] {strides = array<i32>} : memref<4x64xi32, #tpu.memory_space<vmem>>, vector<1x16xi32>,
    %swap3A_166 = vector.shape_cast %swap3A_165 : vector<1x16xi32> to vector<16xi32>
    %swap3A_167 = vector.shape_cast %shift_right_arithmetic3A_161 : vector<16xi32> to vector<1x16xi32>
    tpu.vector_store %arg8[%swap3A_163, %swap3A_164], %swap3A_167 {strides = array<i32>} : memref<4x64xi32, #tpu.memory_space<vmem>>, vector<1x16xi32>,
    %get3A_168 = arith.constant 1 : i32
    %get3A_169 = arith.index_cast %get3A_168 : i32 to index
    %get3A_170 = arith.constant 64 : index
    %get3A_171 = tpu.vector_load %arg7[%get3A_169, %get3A_170] {strides = array<i32>} : memref<2x128xi32, #tpu.memory_space<vmem>>, vector<1x16xi32>,
    %get3A_172 = vector.shape_cast %get3A_171 : vector<1x16xi32> to vector<16xi32>
    %shift_right_arithmetic3A_173 = arith.constant 1 : i32
    %shift_right_arithmetic3A_174 = vector.broadcast %shift_right_arithmetic3A_173 : i32 to vector<16xi32>
    %shift_right_arithmetic3A_175 = arith.shrsi %get3A_172, %shift_right_arithmetic3A_174 : vector<16xi32>
    %swap3A_176 = arith.constant 3 : i32
    %swap3A_177 = arith.index_cast %swap3A_176 : i32 to index
    %swap3A_178 = arith.constant 0 : index
    %swap3A_179 = tpu.vector_load %arg8[%swap3A_177, %swap3A_178] {strides = array<i32>} : memref<4x64xi32, #tpu.memory_space<vmem>>, vector<1x16xi32>,
    %swap3A_180 = vector.shape_cast %swap3A_179 : vector<1x16xi32> to vector<16xi32>
    %swap3A_181 = vector.shape_cast %shift_right_arithmetic3A_175 : vector<16xi32> to vector<1x16xi32>
    tpu.vector_store %arg8[%swap3A_177, %swap3A_178], %swap3A_181 {strides = array<i32>} : memref<4x64xi32, #tpu.memory_space<vmem>>, vector<1x16xi32>,
    %get3A_182 = arith.constant 1 : i32
    %get3A_183 = arith.index_cast %get3A_182 : i32 to index
    %get3A_184 = arith.constant 80 : index
    %get3A_185 = tpu.vector_load %arg7[%get3A_183, %get3A_184] {strides = array<i32>} : memref<2x128xi32, #tpu.memory_space<vmem>>, vector<1x16xi32>,
    %get3A_186 = vector.shape_cast %get3A_185 : vector<1x16xi32> to vector<16xi32>
    %shift_right_arithmetic3A_187 = arith.constant 1 : i32
    %shift_right_arithmetic3A_188 = vector.broadcast %shift_right_arithmetic3A_187 : i32 to vector<16xi32>
    %shift_right_arithmetic3A_189 = arith.shrsi %get3A_186, %shift_right_arithmetic3A_188 : vector<16xi32>
    %swap3A_190 = arith.constant 3 : i32
    %swap3A_191 = arith.index_cast %swap3A_190 : i32 to index
    %swap3A_192 = arith.constant 16 : index
    %swap3A_193 = tpu.vector_load %arg8[%swap3A_191, %swap3A_192] {strides = array<i32>} : memref<4x64xi32, #tpu.memory_space<vmem>>, vector<1x16xi32>,
    %swap3A_194 = vector.shape_cast %swap3A_193 : vector<1x16xi32> to vector<16xi32>
    %swap3A_195 = vector.shape_cast %shift_right_arithmetic3A_189 : vector<16xi32> to vector<1x16xi32>
    tpu.vector_store %arg8[%swap3A_191, %swap3A_192], %swap3A_195 {strides = array<i32>} : memref<4x64xi32, #tpu.memory_space<vmem>>, vector<1x16xi32>,
    %get3A_196 = arith.constant 1 : i32
    %get3A_197 = arith.index_cast %get3A_196 : i32 to index
    %get3A_198 = arith.constant 96 : index
    %get3A_199 = tpu.vector_load %arg7[%get3A_197, %get3A_198] {strides = array<i32>} : memref<2x128xi32, #tpu.memory_space<vmem>>, vector<1x16xi32>,
    %get3A_200 = vector.shape_cast %get3A_199 : vector<1x16xi32> to vector<16xi32>
    %shift_right_arithmetic3A_201 = arith.constant 1 : i32
    %shift_right_arithmetic3A_202 = vector.broadcast %shift_right_arithmetic3A_201 : i32 to vector<16xi32>
    %shift_right_arithmetic3A_203 = arith.shrsi %get3A_200, %shift_right_arithmetic3A_202 : vector<16xi32>
    %swap3A_204 = arith.constant 3 : i32
    %swap3A_205 = arith.index_cast %swap3A_204 : i32 to index
    %swap3A_206 = arith.constant 32 : index
    %swap3A_207 = tpu.vector_load %arg8[%swap3A_205, %swap3A_206] {strides = array<i32>} : memref<4x64xi32, #tpu.memory_space<vmem>>, vector<1x16xi32>,
    %swap3A_208 = vector.shape_cast %swap3A_207 : vector<1x16xi32> to vector<16xi32>
    %swap3A_209 = vector.shape_cast %shift_right_arithmetic3A_203 : vector<16xi32> to vector<1x16xi32>
    tpu.vector_store %arg8[%swap3A_205, %swap3A_206], %swap3A_209 {strides = array<i32>} : memref<4x64xi32, #tpu.memory_space<vmem>>, vector<1x16xi32>,
    %get3A_210 = arith.constant 1 : i32
    %get3A_211 = arith.index_cast %get3A_210 : i32 to index
    %get3A_212 = arith.constant 112 : index
    %get3A_213 = tpu.vector_load %arg7[%get3A_211, %get3A_212] {strides = array<i32>} : memref<2x128xi32, #tpu.memory_space<vmem>>, vector<1x16xi32>,
    %get3A_214 = vector.shape_cast %get3A_213 : vector<1x16xi32> to vector<16xi32>
    %shift_right_arithmetic3A_215 = arith.constant 1 : i32
    %shift_right_arithmetic3A_216 = vector.broadcast %shift_right_arithmetic3A_215 : i32 to vector<16xi32>
    %shift_right_arithmetic3A_217 = arith.shrsi %get3A_214, %shift_right_arithmetic3A_216 : vector<16xi32>
    %swap3A_218 = arith.constant 3 : i32
    %swap3A_219 = arith.index_cast %swap3A_218 : i32 to index
    %swap3A_220 = arith.constant 48 : index
    %swap3A_221 = tpu.vector_load %arg8[%swap3A_219, %swap3A_220] {strides = array<i32>} : memref<4x64xi32, #tpu.memory_space<vmem>>, vector<1x16xi32>,
    %swap3A_222 = vector.shape_cast %swap3A_221 : vector<1x16xi32> to vector<16xi32>
    %swap3A_223 = vector.shape_cast %shift_right_arithmetic3A_217 : vector<16xi32> to vector<1x16xi32>
    tpu.vector_store %arg8[%swap3A_219, %swap3A_220], %swap3A_223 {strides = array<i32>} : memref<4x64xi32, #tpu.memory_space<vmem>>, vector<1x16xi32>,
    %dma_start3A = arith.constant 0 : i32
    %dma_start3A_224 = arith.constant 0 : i32
    %dma_start3A_225 = arith.constant 0 : i32
    %dma_start3A_226 = tpu.memref_slice %arg9[%dma_start3A_224, %dma_start3A_225] : memref<256x128xf32, #tpu.memory_space<vmem>> -> memref<64x128xf32, #tpu.memory_space<vmem>>
    %dma_start3A_227 = arith.constant 0 : i32
    %dma_start3A_228 = tpu.memref_slice %arg8[%dma_start3A, %dma_start3A_227] : memref<4x64xi32, #tpu.memory_space<vmem>> -> memref<1x64xi32, #tpu.memory_space<vmem>>
    %dma_start3A_229 = tpu.memref_squeeze %dma_start3A_228 : memref<1x64xi32, #tpu.memory_space<vmem>> -> memref<64xi32, #tpu.memory_space<vmem>>
    %dma_start3A_230 = arith.constant 0 : i32
    %dma_start3A_231 = arith.constant 0 : i32
    %dma_start3A_232 = tpu.memref_slice %arg2[%dma_start3A_230, %dma_start3A_231] : memref<50000x128xf32, #tpu.memory_space<hbm>> -> memref<50000x128xf32, #tpu.memory_space<hbm>>
    tpu.enqueue_indirect_dma source(%dma_start3A_232 : memref<50000x128xf32, #tpu.memory_space<hbm>>) target(%dma_start3A_226 : memref<64x128xf32, #tpu.memory_space<vmem>>) offsets(%dma_start3A_229 : memref<64xi32, #tpu.memory_space<vmem>>) semaphore(%arg10 : memref<!tpu.dma_semaphore, #tpu.memory_space<semaphore_mem>>)
    %dma_start3A_233 = arith.constant 1 : i32
    %dma_start3A_234 = arith.constant 64 : i32
    %dma_start3A_235 = arith.constant 0 : i32
    %dma_start3A_236 = tpu.memref_slice %arg9[%dma_start3A_234, %dma_start3A_235] : memref<256x128xf32, #tpu.memory_space<vmem>> -> memref<64x128xf32, #tpu.memory_space<vmem>>
    %dma_start3A_237 = arith.constant 0 : i32
    %dma_start3A_238 = tpu.memref_slice %arg8[%dma_start3A_233, %dma_start3A_237] : memref<4x64xi32, #tpu.memory_space<vmem>> -> memref<1x64xi32, #tpu.memory_space<vmem>>
    %dma_start3A_239 = tpu.memref_squeeze %dma_start3A_238 : memref<1x64xi32, #tpu.memory_space<vmem>> -> memref<64xi32, #tpu.memory_space<vmem>>
    %dma_start3A_240 = arith.constant 0 : i32
    %dma_start3A_241 = arith.constant 0 : i32
    %dma_start3A_242 = tpu.memref_slice %arg2[%dma_start3A_240, %dma_start3A_241] : memref<50000x128xf32, #tpu.memory_space<hbm>> -> memref<50000x128xf32, #tpu.memory_space<hbm>>
    tpu.enqueue_indirect_dma source(%dma_start3A_242 : memref<50000x128xf32, #tpu.memory_space<hbm>>) target(%dma_start3A_236 : memref<64x128xf32, #tpu.memory_space<vmem>>) offsets(%dma_start3A_239 : memref<64xi32, #tpu.memory_space<vmem>>) semaphore(%arg10 : memref<!tpu.dma_semaphore, #tpu.memory_space<semaphore_mem>>)
    %dma_start3A_243 = arith.constant 2 : i32
    %dma_start3A_244 = arith.constant 128 : i32
    %dma_start3A_245 = arith.constant 0 : i32
    %dma_start3A_246 = tpu.memref_slice %arg9[%dma_start3A_244, %dma_start3A_245] : memref<256x128xf32, #tpu.memory_space<vmem>> -> memref<64x128xf32, #tpu.memory_space<vmem>>
    %dma_start3A_247 = arith.constant 0 : i32
    %dma_start3A_248 = tpu.memref_slice %arg8[%dma_start3A_243, %dma_start3A_247] : memref<4x64xi32, #tpu.memory_space<vmem>> -> memref<1x64xi32, #tpu.memory_space<vmem>>
    %dma_start3A_249 = tpu.memref_squeeze %dma_start3A_248 : memref<1x64xi32, #tpu.memory_space<vmem>> -> memref<64xi32, #tpu.memory_space<vmem>>
    %dma_start3A_250 = arith.constant 0 : i32
    %dma_start3A_251 = arith.constant 0 : i32
    %dma_start3A_252 = tpu.memref_slice %arg2[%dma_start3A_250, %dma_start3A_251] : memref<50000x128xf32, #tpu.memory_space<hbm>> -> memref<50000x128xf32, #tpu.memory_space<hbm>>
    tpu.enqueue_indirect_dma source(%dma_start3A_252 : memref<50000x128xf32, #tpu.memory_space<hbm>>) target(%dma_start3A_246 : memref<64x128xf32, #tpu.memory_space<vmem>>) offsets(%dma_start3A_249 : memref<64xi32, #tpu.memory_space<vmem>>) semaphore(%arg10 : memref<!tpu.dma_semaphore, #tpu.memory_space<semaphore_mem>>)
    %dma_start3A_253 = arith.constant 3 : i32
    %dma_start3A_254 = arith.constant 192 : i32
    %dma_start3A_255 = arith.constant 0 : i32
    %dma_start3A_256 = tpu.memref_slice %arg9[%dma_start3A_254, %dma_start3A_255] : memref<256x128xf32, #tpu.memory_space<vmem>> -> memref<64x128xf32, #tpu.memory_space<vmem>>
    %dma_start3A_257 = arith.constant 0 : i32
    %dma_start3A_258 = tpu.memref_slice %arg8[%dma_start3A_253, %dma_start3A_257] : memref<4x64xi32, #tpu.memory_space<vmem>> -> memref<1x64xi32, #tpu.memory_space<vmem>>
    %dma_start3A_259 = tpu.memref_squeeze %dma_start3A_258 : memref<1x64xi32, #tpu.memory_space<vmem>> -> memref<64xi32, #tpu.memory_space<vmem>>
    %dma_start3A_260 = arith.constant 0 : i32
    %dma_start3A_261 = arith.constant 0 : i32
    %dma_start3A_262 = tpu.memref_slice %arg2[%dma_start3A_260, %dma_start3A_261] : memref<50000x128xf32, #tpu.memory_space<hbm>> -> memref<50000x128xf32, #tpu.memory_space<hbm>>
    tpu.enqueue_indirect_dma source(%dma_start3A_262 : memref<50000x128xf32, #tpu.memory_space<hbm>>) target(%dma_start3A_256 : memref<64x128xf32, #tpu.memory_space<vmem>>) offsets(%dma_start3A_259 : memref<64xi32, #tpu.memory_space<vmem>>) semaphore(%arg10 : memref<!tpu.dma_semaphore, #tpu.memory_space<semaphore_mem>>)
    %dma_wait3A = arith.constant 0 : i32
    %dma_wait3A_263 = arith.constant 0 : i32
    %dma_wait3A_264 = arith.constant 0 : i32
    %dma_wait3A_265 = tpu.memref_slice %arg9[%dma_wait3A_263, %dma_wait3A_264] : memref<256x128xf32, #tpu.memory_space<vmem>> -> memref<64x128xf32, #tpu.memory_space<vmem>>
    %dma_wait3A_266 = arith.constant 0 : i32
    %dma_wait3A_267 = tpu.memref_slice %arg8[%dma_wait3A, %dma_wait3A_266] : memref<4x64xi32, #tpu.memory_space<vmem>> -> memref<1x64xi32, #tpu.memory_space<vmem>>
    %dma_wait3A_268 = tpu.memref_squeeze %dma_wait3A_267 : memref<1x64xi32, #tpu.memory_space<vmem>> -> memref<64xi32, #tpu.memory_space<vmem>>
    %dma_wait3A_269 = arith.constant 0 : i32
    %dma_wait3A_270 = arith.constant 0 : i32
    %dma_wait3A_271 = tpu.memref_slice %arg2[%dma_wait3A_269, %dma_wait3A_270] : memref<50000x128xf32, #tpu.memory_space<hbm>> -> memref<50000x128xf32, #tpu.memory_space<hbm>>
    tpu.wait_indirect_dma semaphore(%arg10 : memref<!tpu.dma_semaphore, #tpu.memory_space<semaphore_mem>>) src(%dma_wait3A_271 : memref<50000x128xf32, #tpu.memory_space<hbm>>) dst(%dma_wait3A_265 : memref<64x128xf32, #tpu.memory_space<vmem>>)
    %dma_wait3A_272 = arith.constant 1 : i32
    %dma_wait3A_273 = arith.constant 64 : i32
    %dma_wait3A_274 = arith.constant 0 : i32
    %dma_wait3A_275 = tpu.memref_slice %arg9[%dma_wait3A_273, %dma_wait3A_274] : memref<256x128xf32, #tpu.memory_space<vmem>> -> memref<64x128xf32, #tpu.memory_space<vmem>>
    %dma_wait3A_276 = arith.constant 0 : i32
    %dma_wait3A_277 = tpu.memref_slice %arg8[%dma_wait3A_272, %dma_wait3A_276] : memref<4x64xi32, #tpu.memory_space<vmem>> -> memref<1x64xi32, #tpu.memory_space<vmem>>
    %dma_wait3A_278 = tpu.memref_squeeze %dma_wait3A_277 : memref<1x64xi32, #tpu.memory_space<vmem>> -> memref<64xi32, #tpu.memory_space<vmem>>
    %dma_wait3A_279 = arith.constant 0 : i32
    %dma_wait3A_280 = arith.constant 0 : i32
    %dma_wait3A_281 = tpu.memref_slice %arg2[%dma_wait3A_279, %dma_wait3A_280] : memref<50000x128xf32, #tpu.memory_space<hbm>> -> memref<50000x128xf32, #tpu.memory_space<hbm>>
    tpu.wait_indirect_dma semaphore(%arg10 : memref<!tpu.dma_semaphore, #tpu.memory_space<semaphore_mem>>) src(%dma_wait3A_281 : memref<50000x128xf32, #tpu.memory_space<hbm>>) dst(%dma_wait3A_275 : memref<64x128xf32, #tpu.memory_space<vmem>>)
    %dma_wait3A_282 = arith.constant 2 : i32
    %dma_wait3A_283 = arith.constant 128 : i32
    %dma_wait3A_284 = arith.constant 0 : i32
    %dma_wait3A_285 = tpu.memref_slice %arg9[%dma_wait3A_283, %dma_wait3A_284] : memref<256x128xf32, #tpu.memory_space<vmem>> -> memref<64x128xf32, #tpu.memory_space<vmem>>
    %dma_wait3A_286 = arith.constant 0 : i32
    %dma_wait3A_287 = tpu.memref_slice %arg8[%dma_wait3A_282, %dma_wait3A_286] : memref<4x64xi32, #tpu.memory_space<vmem>> -> memref<1x64xi32, #tpu.memory_space<vmem>>
    %dma_wait3A_288 = tpu.memref_squeeze %dma_wait3A_287 : memref<1x64xi32, #tpu.memory_space<vmem>> -> memref<64xi32, #tpu.memory_space<vmem>>
    %dma_wait3A_289 = arith.constant 0 : i32
    %dma_wait3A_290 = arith.constant 0 : i32
    %dma_wait3A_291 = tpu.memref_slice %arg2[%dma_wait3A_289, %dma_wait3A_290] : memref<50000x128xf32, #tpu.memory_space<hbm>> -> memref<50000x128xf32, #tpu.memory_space<hbm>>
    tpu.wait_indirect_dma semaphore(%arg10 : memref<!tpu.dma_semaphore, #tpu.memory_space<semaphore_mem>>) src(%dma_wait3A_291 : memref<50000x128xf32, #tpu.memory_space<hbm>>) dst(%dma_wait3A_285 : memref<64x128xf32, #tpu.memory_space<vmem>>)
    %dma_wait3A_292 = arith.constant 3 : i32
    %dma_wait3A_293 = arith.constant 192 : i32
    %dma_wait3A_294 = arith.constant 0 : i32
    %dma_wait3A_295 = tpu.memref_slice %arg9[%dma_wait3A_293, %dma_wait3A_294] : memref<256x128xf32, #tpu.memory_space<vmem>> -> memref<64x128xf32, #tpu.memory_space<vmem>>
    %dma_wait3A_296 = arith.constant 0 : i32
    %dma_wait3A_297 = tpu.memref_slice %arg8[%dma_wait3A_292, %dma_wait3A_296] : memref<4x64xi32, #tpu.memory_space<vmem>> -> memref<1x64xi32, #tpu.memory_space<vmem>>
    %dma_wait3A_298 = tpu.memref_squeeze %dma_wait3A_297 : memref<1x64xi32, #tpu.memory_space<vmem>> -> memref<64xi32, #tpu.memory_space<vmem>>
    %dma_wait3A_299 = arith.constant 0 : i32
    %dma_wait3A_300 = arith.constant 0 : i32
    %dma_wait3A_301 = tpu.memref_slice %arg2[%dma_wait3A_299, %dma_wait3A_300] : memref<50000x128xf32, #tpu.memory_space<hbm>> -> memref<50000x128xf32, #tpu.memory_space<hbm>>
    tpu.wait_indirect_dma semaphore(%arg10 : memref<!tpu.dma_semaphore, #tpu.memory_space<semaphore_mem>>) src(%dma_wait3A_301 : memref<50000x128xf32, #tpu.memory_space<hbm>>) dst(%dma_wait3A_295 : memref<64x128xf32, #tpu.memory_space<vmem>>)
    %mul3A_302 = arith.constant 256 : i32
    %mul3A_303 = arith.muli %add3A, %mul3A_302 : i32
    "tpu.region"() ({
      %run_scoped3A = tpu.sem_alloc : memref<!tpu.dma_semaphore, #tpu.memory_space<semaphore_mem>>
      %dma_start3A_304 = arith.constant 0 : i32
      %dma_start3A_305 = tpu.memref_slice %arg6[%mul3A_303, %dma_start3A_304] : memref<8192x128xf32, #tpu.memory_space<hbm>> -> memref<256x128xf32, #tpu.memory_space<hbm>>
      %dma_start3A_306 = arith.constant 0 : i32
      %dma_start3A_307 = tpu.memref_slice %arg6[%mul3A_303, %dma_start3A_306] : memref<8192x128xf32, #tpu.memory_space<hbm>> -> memref<256x128xf32, #tpu.memory_space<hbm>>
      tpu.enqueue_dma source(%arg9 : memref<256x128xf32, #tpu.memory_space<vmem>>) target(%dma_start3A_307 : memref<256x128xf32, #tpu.memory_space<hbm>>) target_semaphore(%run_scoped3A : memref<!tpu.dma_semaphore, #tpu.memory_space<semaphore_mem>>)
      %dma_wait3A_308 = arith.constant 0 : i32
      %dma_wait3A_309 = tpu.memref_slice %arg6[%mul3A_303, %dma_wait3A_308] : memref<8192x128xf32, #tpu.memory_space<hbm>> -> memref<256x128xf32, #tpu.memory_space<hbm>>
      %dma_wait3A_310 = arith.constant 0 : i32
      %dma_wait3A_311 = tpu.memref_slice %arg6[%mul3A_303, %dma_wait3A_310] : memref<8192x128xf32, #tpu.memory_space<hbm>> -> memref<256x128xf32, #tpu.memory_space<hbm>>
      tpu.wait_dma2 semaphore(%run_scoped3A : memref<!tpu.dma_semaphore, #tpu.memory_space<semaphore_mem>>) src(%arg9 : memref<256x128xf32, #tpu.memory_space<vmem>>) dst(%dma_wait3A_311 : memref<256x128xf32, #tpu.memory_space<hbm>>)
      tpu.yield
    }) : () -> ()
    return
  }
}

#map = affine_map<(d0, d1) -> (0, 0)>
module attributes {stable_mosaic.version = 14 : i64} {
  func.func @k(%arg0: i32, %arg1: i32, %arg2: memref<50000x128xf32, #tpu.memory_space<hbm>>, %arg3: memref<50000x128xf32, #tpu.memory_space<hbm>>, %arg4: memref<64x128xi32, #tpu.memory_space<hbm>>, %arg5: memref<8x32xi32, #tpu.memory_space<hbm>>, %arg6: memref<8192x128xf32, #tpu.memory_space<hbm>>, %arg7: memref<256x128xf32, #tpu.memory_space<hbm>>, %arg8: memref<2x128xi32, #tpu.memory_space<vmem>>, %arg9: memref<4x64xi32, #tpu.memory_space<vmem>>, %arg10: memref<256x128xf32, #tpu.memory_space<vmem>>, %arg11: memref<8x32xi32, #tpu.memory_space<vmem>>, %arg12: memref<32x128xf32, #tpu.memory_space<vmem>>, %arg13: memref<!tpu.dma_semaphore, #tpu.memory_space<semaphore_mem>>) attributes {dimension_semantics = [#tpu.dimension_semantics<core_parallel>, #tpu.dimension_semantics<subcore_parallel>], iteration_bounds = array<i64: 2, 16>, scalar_prefetch = 0 : i64, scratch_operands = 6 : i64, tpu.core_type = #tpu.core_type<sc_vector_subcore>, window_params = [{transform_indices = #map}, {transform_indices = #map}, {transform_indices = #map}, {transform_indices = #map}, {transform_indices = #map}, {transform_indices = #map}]} {
    %mul3A = arith.constant 2 : i32
    %mul3A_0 = arith.muli %arg1, %mul3A : i32
    %add3A = arith.addi %mul3A_0, %arg0 : i32
    %mul3A_1 = arith.constant 2 : i32
    %mul3A_2 = arith.muli %add3A, %mul3A_1 : i32
    "tpu.region"() ({
      %run_scoped3A = tpu.sem_alloc : memref<!tpu.dma_semaphore, #tpu.memory_space<semaphore_mem>>
      %dma_start3A_341 = arith.constant 0 : i32
      %dma_start3A_342 = tpu.memref_slice %arg4[%mul3A_2, %dma_start3A_341] : memref<64x128xi32, #tpu.memory_space<hbm>> -> memref<2x128xi32, #tpu.memory_space<hbm>>
      %dma_start3A_343 = arith.constant 0 : i32
      %dma_start3A_344 = tpu.memref_slice %arg4[%mul3A_2, %dma_start3A_343] : memref<64x128xi32, #tpu.memory_space<hbm>> -> memref<2x128xi32, #tpu.memory_space<hbm>>
      tpu.enqueue_dma source(%dma_start3A_344 : memref<2x128xi32, #tpu.memory_space<hbm>>) target(%arg8 : memref<2x128xi32, #tpu.memory_space<vmem>>) target_semaphore(%run_scoped3A : memref<!tpu.dma_semaphore, #tpu.memory_space<semaphore_mem>>)
      %dma_wait3A_345 = arith.constant 0 : i32
      %dma_wait3A_346 = tpu.memref_slice %arg4[%mul3A_2, %dma_wait3A_345] : memref<64x128xi32, #tpu.memory_space<hbm>> -> memref<2x128xi32, #tpu.memory_space<hbm>>
      %dma_wait3A_347 = arith.constant 0 : i32
      %dma_wait3A_348 = tpu.memref_slice %arg4[%mul3A_2, %dma_wait3A_347] : memref<64x128xi32, #tpu.memory_space<hbm>> -> memref<2x128xi32, #tpu.memory_space<hbm>>
      tpu.wait_dma2 semaphore(%run_scoped3A : memref<!tpu.dma_semaphore, #tpu.memory_space<semaphore_mem>>) src(%dma_wait3A_348 : memref<2x128xi32, #tpu.memory_space<hbm>>) dst(%arg8 : memref<2x128xi32, #tpu.memory_space<vmem>>)
      tpu.yield
    }) : () -> ()
    %get3A = arith.constant 0 : i32
    %get3A_3 = arith.index_cast %get3A : i32 to index
    %get3A_4 = arith.constant 0 : index
    %get3A_5 = tpu.vector_load %arg8[%get3A_3, %get3A_4] {strides = array<i32>} : memref<2x128xi32, #tpu.memory_space<vmem>>, vector<1x16xi32>,
    %get3A_6 = vector.shape_cast %get3A_5 : vector<1x16xi32> to vector<16xi32>
    %shift_right_arithmetic3A = arith.constant 1 : i32
    %shift_right_arithmetic3A_7 = vector.broadcast %shift_right_arithmetic3A : i32 to vector<16xi32>
    %shift_right_arithmetic3A_8 = arith.shrsi %get3A_6, %shift_right_arithmetic3A_7 : vector<16xi32>
    %swap3A = arith.constant 0 : i32
    %swap3A_9 = arith.index_cast %swap3A : i32 to index
    %swap3A_10 = arith.constant 0 : index
    %swap3A_11 = tpu.vector_load %arg9[%swap3A_9, %swap3A_10] {strides = array<i32>} : memref<4x64xi32, #tpu.memory_space<vmem>>, vector<1x16xi32>,
    %swap3A_12 = vector.shape_cast %swap3A_11 : vector<1x16xi32> to vector<16xi32>
    %swap3A_13 = vector.shape_cast %shift_right_arithmetic3A_8 : vector<16xi32> to vector<1x16xi32>
    tpu.vector_store %arg9[%swap3A_9, %swap3A_10], %swap3A_13 {strides = array<i32>} : memref<4x64xi32, #tpu.memory_space<vmem>>, vector<1x16xi32>,
    %get3A_14 = arith.constant 0 : i32
    %get3A_15 = arith.index_cast %get3A_14 : i32 to index
    %get3A_16 = arith.constant 16 : index
    %get3A_17 = tpu.vector_load %arg8[%get3A_15, %get3A_16] {strides = array<i32>} : memref<2x128xi32, #tpu.memory_space<vmem>>, vector<1x16xi32>,
    %get3A_18 = vector.shape_cast %get3A_17 : vector<1x16xi32> to vector<16xi32>
    %shift_right_arithmetic3A_19 = arith.constant 1 : i32
    %shift_right_arithmetic3A_20 = vector.broadcast %shift_right_arithmetic3A_19 : i32 to vector<16xi32>
    %shift_right_arithmetic3A_21 = arith.shrsi %get3A_18, %shift_right_arithmetic3A_20 : vector<16xi32>
    %swap3A_22 = arith.constant 0 : i32
    %swap3A_23 = arith.index_cast %swap3A_22 : i32 to index
    %swap3A_24 = arith.constant 16 : index
    %swap3A_25 = tpu.vector_load %arg9[%swap3A_23, %swap3A_24] {strides = array<i32>} : memref<4x64xi32, #tpu.memory_space<vmem>>, vector<1x16xi32>,
    %swap3A_26 = vector.shape_cast %swap3A_25 : vector<1x16xi32> to vector<16xi32>
    %swap3A_27 = vector.shape_cast %shift_right_arithmetic3A_21 : vector<16xi32> to vector<1x16xi32>
    tpu.vector_store %arg9[%swap3A_23, %swap3A_24], %swap3A_27 {strides = array<i32>} : memref<4x64xi32, #tpu.memory_space<vmem>>, vector<1x16xi32>,
    %get3A_28 = arith.constant 0 : i32
    %get3A_29 = arith.index_cast %get3A_28 : i32 to index
    %get3A_30 = arith.constant 32 : index
    %get3A_31 = tpu.vector_load %arg8[%get3A_29, %get3A_30] {strides = array<i32>} : memref<2x128xi32, #tpu.memory_space<vmem>>, vector<1x16xi32>,
    %get3A_32 = vector.shape_cast %get3A_31 : vector<1x16xi32> to vector<16xi32>
    %shift_right_arithmetic3A_33 = arith.constant 1 : i32
    %shift_right_arithmetic3A_34 = vector.broadcast %shift_right_arithmetic3A_33 : i32 to vector<16xi32>
    %shift_right_arithmetic3A_35 = arith.shrsi %get3A_32, %shift_right_arithmetic3A_34 : vector<16xi32>
    %swap3A_36 = arith.constant 0 : i32
    %swap3A_37 = arith.index_cast %swap3A_36 : i32 to index
    %swap3A_38 = arith.constant 32 : index
    %swap3A_39 = tpu.vector_load %arg9[%swap3A_37, %swap3A_38] {strides = array<i32>} : memref<4x64xi32, #tpu.memory_space<vmem>>, vector<1x16xi32>,
    %swap3A_40 = vector.shape_cast %swap3A_39 : vector<1x16xi32> to vector<16xi32>
    %swap3A_41 = vector.shape_cast %shift_right_arithmetic3A_35 : vector<16xi32> to vector<1x16xi32>
    tpu.vector_store %arg9[%swap3A_37, %swap3A_38], %swap3A_41 {strides = array<i32>} : memref<4x64xi32, #tpu.memory_space<vmem>>, vector<1x16xi32>,
    %get3A_42 = arith.constant 0 : i32
    %get3A_43 = arith.index_cast %get3A_42 : i32 to index
    %get3A_44 = arith.constant 48 : index
    %get3A_45 = tpu.vector_load %arg8[%get3A_43, %get3A_44] {strides = array<i32>} : memref<2x128xi32, #tpu.memory_space<vmem>>, vector<1x16xi32>,
    %get3A_46 = vector.shape_cast %get3A_45 : vector<1x16xi32> to vector<16xi32>
    %shift_right_arithmetic3A_47 = arith.constant 1 : i32
    %shift_right_arithmetic3A_48 = vector.broadcast %shift_right_arithmetic3A_47 : i32 to vector<16xi32>
    %shift_right_arithmetic3A_49 = arith.shrsi %get3A_46, %shift_right_arithmetic3A_48 : vector<16xi32>
    %swap3A_50 = arith.constant 0 : i32
    %swap3A_51 = arith.index_cast %swap3A_50 : i32 to index
    %swap3A_52 = arith.constant 48 : index
    %swap3A_53 = tpu.vector_load %arg9[%swap3A_51, %swap3A_52] {strides = array<i32>} : memref<4x64xi32, #tpu.memory_space<vmem>>, vector<1x16xi32>,
    %swap3A_54 = vector.shape_cast %swap3A_53 : vector<1x16xi32> to vector<16xi32>
    %swap3A_55 = vector.shape_cast %shift_right_arithmetic3A_49 : vector<16xi32> to vector<1x16xi32>
    tpu.vector_store %arg9[%swap3A_51, %swap3A_52], %swap3A_55 {strides = array<i32>} : memref<4x64xi32, #tpu.memory_space<vmem>>, vector<1x16xi32>,
    %get3A_56 = arith.constant 0 : i32
    %get3A_57 = arith.index_cast %get3A_56 : i32 to index
    %get3A_58 = arith.constant 64 : index
    %get3A_59 = tpu.vector_load %arg8[%get3A_57, %get3A_58] {strides = array<i32>} : memref<2x128xi32, #tpu.memory_space<vmem>>, vector<1x16xi32>,
    %get3A_60 = vector.shape_cast %get3A_59 : vector<1x16xi32> to vector<16xi32>
    %shift_right_arithmetic3A_61 = arith.constant 1 : i32
    %shift_right_arithmetic3A_62 = vector.broadcast %shift_right_arithmetic3A_61 : i32 to vector<16xi32>
    %shift_right_arithmetic3A_63 = arith.shrsi %get3A_60, %shift_right_arithmetic3A_62 : vector<16xi32>
    %swap3A_64 = arith.constant 1 : i32
    %swap3A_65 = arith.index_cast %swap3A_64 : i32 to index
    %swap3A_66 = arith.constant 0 : index
    %swap3A_67 = tpu.vector_load %arg9[%swap3A_65, %swap3A_66] {strides = array<i32>} : memref<4x64xi32, #tpu.memory_space<vmem>>, vector<1x16xi32>,
    %swap3A_68 = vector.shape_cast %swap3A_67 : vector<1x16xi32> to vector<16xi32>
    %swap3A_69 = vector.shape_cast %shift_right_arithmetic3A_63 : vector<16xi32> to vector<1x16xi32>
    tpu.vector_store %arg9[%swap3A_65, %swap3A_66], %swap3A_69 {strides = array<i32>} : memref<4x64xi32, #tpu.memory_space<vmem>>, vector<1x16xi32>,
    %get3A_70 = arith.constant 0 : i32
    %get3A_71 = arith.index_cast %get3A_70 : i32 to index
    %get3A_72 = arith.constant 80 : index
    %get3A_73 = tpu.vector_load %arg8[%get3A_71, %get3A_72] {strides = array<i32>} : memref<2x128xi32, #tpu.memory_space<vmem>>, vector<1x16xi32>,
    %get3A_74 = vector.shape_cast %get3A_73 : vector<1x16xi32> to vector<16xi32>
    %shift_right_arithmetic3A_75 = arith.constant 1 : i32
    %shift_right_arithmetic3A_76 = vector.broadcast %shift_right_arithmetic3A_75 : i32 to vector<16xi32>
    %shift_right_arithmetic3A_77 = arith.shrsi %get3A_74, %shift_right_arithmetic3A_76 : vector<16xi32>
    %swap3A_78 = arith.constant 1 : i32
    %swap3A_79 = arith.index_cast %swap3A_78 : i32 to index
    %swap3A_80 = arith.constant 16 : index
    %swap3A_81 = tpu.vector_load %arg9[%swap3A_79, %swap3A_80] {strides = array<i32>} : memref<4x64xi32, #tpu.memory_space<vmem>>, vector<1x16xi32>,
    %swap3A_82 = vector.shape_cast %swap3A_81 : vector<1x16xi32> to vector<16xi32>
    %swap3A_83 = vector.shape_cast %shift_right_arithmetic3A_77 : vector<16xi32> to vector<1x16xi32>
    tpu.vector_store %arg9[%swap3A_79, %swap3A_80], %swap3A_83 {strides = array<i32>} : memref<4x64xi32, #tpu.memory_space<vmem>>, vector<1x16xi32>,
    %get3A_84 = arith.constant 0 : i32
    %get3A_85 = arith.index_cast %get3A_84 : i32 to index
    %get3A_86 = arith.constant 96 : index
    %get3A_87 = tpu.vector_load %arg8[%get3A_85, %get3A_86] {strides = array<i32>} : memref<2x128xi32, #tpu.memory_space<vmem>>, vector<1x16xi32>,
    %get3A_88 = vector.shape_cast %get3A_87 : vector<1x16xi32> to vector<16xi32>
    %shift_right_arithmetic3A_89 = arith.constant 1 : i32
    %shift_right_arithmetic3A_90 = vector.broadcast %shift_right_arithmetic3A_89 : i32 to vector<16xi32>
    %shift_right_arithmetic3A_91 = arith.shrsi %get3A_88, %shift_right_arithmetic3A_90 : vector<16xi32>
    %swap3A_92 = arith.constant 1 : i32
    %swap3A_93 = arith.index_cast %swap3A_92 : i32 to index
    %swap3A_94 = arith.constant 32 : index
    %swap3A_95 = tpu.vector_load %arg9[%swap3A_93, %swap3A_94] {strides = array<i32>} : memref<4x64xi32, #tpu.memory_space<vmem>>, vector<1x16xi32>,
    %swap3A_96 = vector.shape_cast %swap3A_95 : vector<1x16xi32> to vector<16xi32>
    %swap3A_97 = vector.shape_cast %shift_right_arithmetic3A_91 : vector<16xi32> to vector<1x16xi32>
    tpu.vector_store %arg9[%swap3A_93, %swap3A_94], %swap3A_97 {strides = array<i32>} : memref<4x64xi32, #tpu.memory_space<vmem>>, vector<1x16xi32>,
    %get3A_98 = arith.constant 0 : i32
    %get3A_99 = arith.index_cast %get3A_98 : i32 to index
    %get3A_100 = arith.constant 112 : index
    %get3A_101 = tpu.vector_load %arg8[%get3A_99, %get3A_100] {strides = array<i32>} : memref<2x128xi32, #tpu.memory_space<vmem>>, vector<1x16xi32>,
    %get3A_102 = vector.shape_cast %get3A_101 : vector<1x16xi32> to vector<16xi32>
    %shift_right_arithmetic3A_103 = arith.constant 1 : i32
    %shift_right_arithmetic3A_104 = vector.broadcast %shift_right_arithmetic3A_103 : i32 to vector<16xi32>
    %shift_right_arithmetic3A_105 = arith.shrsi %get3A_102, %shift_right_arithmetic3A_104 : vector<16xi32>
    %swap3A_106 = arith.constant 1 : i32
    %swap3A_107 = arith.index_cast %swap3A_106 : i32 to index
    %swap3A_108 = arith.constant 48 : index
    %swap3A_109 = tpu.vector_load %arg9[%swap3A_107, %swap3A_108] {strides = array<i32>} : memref<4x64xi32, #tpu.memory_space<vmem>>, vector<1x16xi32>,
    %swap3A_110 = vector.shape_cast %swap3A_109 : vector<1x16xi32> to vector<16xi32>
    %swap3A_111 = vector.shape_cast %shift_right_arithmetic3A_105 : vector<16xi32> to vector<1x16xi32>
    tpu.vector_store %arg9[%swap3A_107, %swap3A_108], %swap3A_111 {strides = array<i32>} : memref<4x64xi32, #tpu.memory_space<vmem>>, vector<1x16xi32>,
    %get3A_112 = arith.constant 1 : i32
    %get3A_113 = arith.index_cast %get3A_112 : i32 to index
    %get3A_114 = arith.constant 0 : index
    %get3A_115 = tpu.vector_load %arg8[%get3A_113, %get3A_114] {strides = array<i32>} : memref<2x128xi32, #tpu.memory_space<vmem>>, vector<1x16xi32>,
    %get3A_116 = vector.shape_cast %get3A_115 : vector<1x16xi32> to vector<16xi32>
    %shift_right_arithmetic3A_117 = arith.constant 1 : i32
    %shift_right_arithmetic3A_118 = vector.broadcast %shift_right_arithmetic3A_117 : i32 to vector<16xi32>
    %shift_right_arithmetic3A_119 = arith.shrsi %get3A_116, %shift_right_arithmetic3A_118 : vector<16xi32>
    %swap3A_120 = arith.constant 2 : i32
    %swap3A_121 = arith.index_cast %swap3A_120 : i32 to index
    %swap3A_122 = arith.constant 0 : index
    %swap3A_123 = tpu.vector_load %arg9[%swap3A_121, %swap3A_122] {strides = array<i32>} : memref<4x64xi32, #tpu.memory_space<vmem>>, vector<1x16xi32>,
    %swap3A_124 = vector.shape_cast %swap3A_123 : vector<1x16xi32> to vector<16xi32>
    %swap3A_125 = vector.shape_cast %shift_right_arithmetic3A_119 : vector<16xi32> to vector<1x16xi32>
    tpu.vector_store %arg9[%swap3A_121, %swap3A_122], %swap3A_125 {strides = array<i32>} : memref<4x64xi32, #tpu.memory_space<vmem>>, vector<1x16xi32>,
    %get3A_126 = arith.constant 1 : i32
    %get3A_127 = arith.index_cast %get3A_126 : i32 to index
    %get3A_128 = arith.constant 16 : index
    %get3A_129 = tpu.vector_load %arg8[%get3A_127, %get3A_128] {strides = array<i32>} : memref<2x128xi32, #tpu.memory_space<vmem>>, vector<1x16xi32>,
    %get3A_130 = vector.shape_cast %get3A_129 : vector<1x16xi32> to vector<16xi32>
    %shift_right_arithmetic3A_131 = arith.constant 1 : i32
    %shift_right_arithmetic3A_132 = vector.broadcast %shift_right_arithmetic3A_131 : i32 to vector<16xi32>
    %shift_right_arithmetic3A_133 = arith.shrsi %get3A_130, %shift_right_arithmetic3A_132 : vector<16xi32>
    %swap3A_134 = arith.constant 2 : i32
    %swap3A_135 = arith.index_cast %swap3A_134 : i32 to index
    %swap3A_136 = arith.constant 16 : index
    %swap3A_137 = tpu.vector_load %arg9[%swap3A_135, %swap3A_136] {strides = array<i32>} : memref<4x64xi32, #tpu.memory_space<vmem>>, vector<1x16xi32>,
    %swap3A_138 = vector.shape_cast %swap3A_137 : vector<1x16xi32> to vector<16xi32>
    %swap3A_139 = vector.shape_cast %shift_right_arithmetic3A_133 : vector<16xi32> to vector<1x16xi32>
    tpu.vector_store %arg9[%swap3A_135, %swap3A_136], %swap3A_139 {strides = array<i32>} : memref<4x64xi32, #tpu.memory_space<vmem>>, vector<1x16xi32>,
    %get3A_140 = arith.constant 1 : i32
    %get3A_141 = arith.index_cast %get3A_140 : i32 to index
    %get3A_142 = arith.constant 32 : index
    %get3A_143 = tpu.vector_load %arg8[%get3A_141, %get3A_142] {strides = array<i32>} : memref<2x128xi32, #tpu.memory_space<vmem>>, vector<1x16xi32>,
    %get3A_144 = vector.shape_cast %get3A_143 : vector<1x16xi32> to vector<16xi32>
    %shift_right_arithmetic3A_145 = arith.constant 1 : i32
    %shift_right_arithmetic3A_146 = vector.broadcast %shift_right_arithmetic3A_145 : i32 to vector<16xi32>
    %shift_right_arithmetic3A_147 = arith.shrsi %get3A_144, %shift_right_arithmetic3A_146 : vector<16xi32>
    %swap3A_148 = arith.constant 2 : i32
    %swap3A_149 = arith.index_cast %swap3A_148 : i32 to index
    %swap3A_150 = arith.constant 32 : index
    %swap3A_151 = tpu.vector_load %arg9[%swap3A_149, %swap3A_150] {strides = array<i32>} : memref<4x64xi32, #tpu.memory_space<vmem>>, vector<1x16xi32>,
    %swap3A_152 = vector.shape_cast %swap3A_151 : vector<1x16xi32> to vector<16xi32>
    %swap3A_153 = vector.shape_cast %shift_right_arithmetic3A_147 : vector<16xi32> to vector<1x16xi32>
    tpu.vector_store %arg9[%swap3A_149, %swap3A_150], %swap3A_153 {strides = array<i32>} : memref<4x64xi32, #tpu.memory_space<vmem>>, vector<1x16xi32>,
    %get3A_154 = arith.constant 1 : i32
    %get3A_155 = arith.index_cast %get3A_154 : i32 to index
    %get3A_156 = arith.constant 48 : index
    %get3A_157 = tpu.vector_load %arg8[%get3A_155, %get3A_156] {strides = array<i32>} : memref<2x128xi32, #tpu.memory_space<vmem>>, vector<1x16xi32>,
    %get3A_158 = vector.shape_cast %get3A_157 : vector<1x16xi32> to vector<16xi32>
    %shift_right_arithmetic3A_159 = arith.constant 1 : i32
    %shift_right_arithmetic3A_160 = vector.broadcast %shift_right_arithmetic3A_159 : i32 to vector<16xi32>
    %shift_right_arithmetic3A_161 = arith.shrsi %get3A_158, %shift_right_arithmetic3A_160 : vector<16xi32>
    %swap3A_162 = arith.constant 2 : i32
    %swap3A_163 = arith.index_cast %swap3A_162 : i32 to index
    %swap3A_164 = arith.constant 48 : index
    %swap3A_165 = tpu.vector_load %arg9[%swap3A_163, %swap3A_164] {strides = array<i32>} : memref<4x64xi32, #tpu.memory_space<vmem>>, vector<1x16xi32>,
    %swap3A_166 = vector.shape_cast %swap3A_165 : vector<1x16xi32> to vector<16xi32>
    %swap3A_167 = vector.shape_cast %shift_right_arithmetic3A_161 : vector<16xi32> to vector<1x16xi32>
    tpu.vector_store %arg9[%swap3A_163, %swap3A_164], %swap3A_167 {strides = array<i32>} : memref<4x64xi32, #tpu.memory_space<vmem>>, vector<1x16xi32>,
    %get3A_168 = arith.constant 1 : i32
    %get3A_169 = arith.index_cast %get3A_168 : i32 to index
    %get3A_170 = arith.constant 64 : index
    %get3A_171 = tpu.vector_load %arg8[%get3A_169, %get3A_170] {strides = array<i32>} : memref<2x128xi32, #tpu.memory_space<vmem>>, vector<1x16xi32>,
    %get3A_172 = vector.shape_cast %get3A_171 : vector<1x16xi32> to vector<16xi32>
    %shift_right_arithmetic3A_173 = arith.constant 1 : i32
    %shift_right_arithmetic3A_174 = vector.broadcast %shift_right_arithmetic3A_173 : i32 to vector<16xi32>
    %shift_right_arithmetic3A_175 = arith.shrsi %get3A_172, %shift_right_arithmetic3A_174 : vector<16xi32>
    %swap3A_176 = arith.constant 3 : i32
    %swap3A_177 = arith.index_cast %swap3A_176 : i32 to index
    %swap3A_178 = arith.constant 0 : index
    %swap3A_179 = tpu.vector_load %arg9[%swap3A_177, %swap3A_178] {strides = array<i32>} : memref<4x64xi32, #tpu.memory_space<vmem>>, vector<1x16xi32>,
    %swap3A_180 = vector.shape_cast %swap3A_179 : vector<1x16xi32> to vector<16xi32>
    %swap3A_181 = vector.shape_cast %shift_right_arithmetic3A_175 : vector<16xi32> to vector<1x16xi32>
    tpu.vector_store %arg9[%swap3A_177, %swap3A_178], %swap3A_181 {strides = array<i32>} : memref<4x64xi32, #tpu.memory_space<vmem>>, vector<1x16xi32>,
    %get3A_182 = arith.constant 1 : i32
    %get3A_183 = arith.index_cast %get3A_182 : i32 to index
    %get3A_184 = arith.constant 80 : index
    %get3A_185 = tpu.vector_load %arg8[%get3A_183, %get3A_184] {strides = array<i32>} : memref<2x128xi32, #tpu.memory_space<vmem>>, vector<1x16xi32>,
    %get3A_186 = vector.shape_cast %get3A_185 : vector<1x16xi32> to vector<16xi32>
    %shift_right_arithmetic3A_187 = arith.constant 1 : i32
    %shift_right_arithmetic3A_188 = vector.broadcast %shift_right_arithmetic3A_187 : i32 to vector<16xi32>
    %shift_right_arithmetic3A_189 = arith.shrsi %get3A_186, %shift_right_arithmetic3A_188 : vector<16xi32>
    %swap3A_190 = arith.constant 3 : i32
    %swap3A_191 = arith.index_cast %swap3A_190 : i32 to index
    %swap3A_192 = arith.constant 16 : index
    %swap3A_193 = tpu.vector_load %arg9[%swap3A_191, %swap3A_192] {strides = array<i32>} : memref<4x64xi32, #tpu.memory_space<vmem>>, vector<1x16xi32>,
    %swap3A_194 = vector.shape_cast %swap3A_193 : vector<1x16xi32> to vector<16xi32>
    %swap3A_195 = vector.shape_cast %shift_right_arithmetic3A_189 : vector<16xi32> to vector<1x16xi32>
    tpu.vector_store %arg9[%swap3A_191, %swap3A_192], %swap3A_195 {strides = array<i32>} : memref<4x64xi32, #tpu.memory_space<vmem>>, vector<1x16xi32>,
    %get3A_196 = arith.constant 1 : i32
    %get3A_197 = arith.index_cast %get3A_196 : i32 to index
    %get3A_198 = arith.constant 96 : index
    %get3A_199 = tpu.vector_load %arg8[%get3A_197, %get3A_198] {strides = array<i32>} : memref<2x128xi32, #tpu.memory_space<vmem>>, vector<1x16xi32>,
    %get3A_200 = vector.shape_cast %get3A_199 : vector<1x16xi32> to vector<16xi32>
    %shift_right_arithmetic3A_201 = arith.constant 1 : i32
    %shift_right_arithmetic3A_202 = vector.broadcast %shift_right_arithmetic3A_201 : i32 to vector<16xi32>
    %shift_right_arithmetic3A_203 = arith.shrsi %get3A_200, %shift_right_arithmetic3A_202 : vector<16xi32>
    %swap3A_204 = arith.constant 3 : i32
    %swap3A_205 = arith.index_cast %swap3A_204 : i32 to index
    %swap3A_206 = arith.constant 32 : index
    %swap3A_207 = tpu.vector_load %arg9[%swap3A_205, %swap3A_206] {strides = array<i32>} : memref<4x64xi32, #tpu.memory_space<vmem>>, vector<1x16xi32>,
    %swap3A_208 = vector.shape_cast %swap3A_207 : vector<1x16xi32> to vector<16xi32>
    %swap3A_209 = vector.shape_cast %shift_right_arithmetic3A_203 : vector<16xi32> to vector<1x16xi32>
    tpu.vector_store %arg9[%swap3A_205, %swap3A_206], %swap3A_209 {strides = array<i32>} : memref<4x64xi32, #tpu.memory_space<vmem>>, vector<1x16xi32>,
    %get3A_210 = arith.constant 1 : i32
    %get3A_211 = arith.index_cast %get3A_210 : i32 to index
    %get3A_212 = arith.constant 112 : index
    %get3A_213 = tpu.vector_load %arg8[%get3A_211, %get3A_212] {strides = array<i32>} : memref<2x128xi32, #tpu.memory_space<vmem>>, vector<1x16xi32>,
    %get3A_214 = vector.shape_cast %get3A_213 : vector<1x16xi32> to vector<16xi32>
    %shift_right_arithmetic3A_215 = arith.constant 1 : i32
    %shift_right_arithmetic3A_216 = vector.broadcast %shift_right_arithmetic3A_215 : i32 to vector<16xi32>
    %shift_right_arithmetic3A_217 = arith.shrsi %get3A_214, %shift_right_arithmetic3A_216 : vector<16xi32>
    %swap3A_218 = arith.constant 3 : i32
    %swap3A_219 = arith.index_cast %swap3A_218 : i32 to index
    %swap3A_220 = arith.constant 48 : index
    %swap3A_221 = tpu.vector_load %arg9[%swap3A_219, %swap3A_220] {strides = array<i32>} : memref<4x64xi32, #tpu.memory_space<vmem>>, vector<1x16xi32>,
    %swap3A_222 = vector.shape_cast %swap3A_221 : vector<1x16xi32> to vector<16xi32>
    %swap3A_223 = vector.shape_cast %shift_right_arithmetic3A_217 : vector<16xi32> to vector<1x16xi32>
    tpu.vector_store %arg9[%swap3A_219, %swap3A_220], %swap3A_223 {strides = array<i32>} : memref<4x64xi32, #tpu.memory_space<vmem>>, vector<1x16xi32>,
    %dma_start3A = arith.constant 0 : i32
    %dma_start3A_224 = arith.constant 0 : i32
    %dma_start3A_225 = arith.constant 0 : i32
    %dma_start3A_226 = tpu.memref_slice %arg10[%dma_start3A_224, %dma_start3A_225] : memref<256x128xf32, #tpu.memory_space<vmem>> -> memref<64x128xf32, #tpu.memory_space<vmem>>
    %dma_start3A_227 = arith.constant 0 : i32
    %dma_start3A_228 = tpu.memref_slice %arg9[%dma_start3A, %dma_start3A_227] : memref<4x64xi32, #tpu.memory_space<vmem>> -> memref<1x64xi32, #tpu.memory_space<vmem>>
    %dma_start3A_229 = tpu.memref_squeeze %dma_start3A_228 : memref<1x64xi32, #tpu.memory_space<vmem>> -> memref<64xi32, #tpu.memory_space<vmem>>
    %dma_start3A_230 = arith.constant 0 : i32
    %dma_start3A_231 = arith.constant 0 : i32
    %dma_start3A_232 = tpu.memref_slice %arg2[%dma_start3A_230, %dma_start3A_231] : memref<50000x128xf32, #tpu.memory_space<hbm>> -> memref<50000x128xf32, #tpu.memory_space<hbm>>
    tpu.enqueue_indirect_dma source(%dma_start3A_232 : memref<50000x128xf32, #tpu.memory_space<hbm>>) target(%dma_start3A_226 : memref<64x128xf32, #tpu.memory_space<vmem>>) offsets(%dma_start3A_229 : memref<64xi32, #tpu.memory_space<vmem>>) semaphore(%arg13 : memref<!tpu.dma_semaphore, #tpu.memory_space<semaphore_mem>>)
    %dma_start3A_233 = arith.constant 1 : i32
    %dma_start3A_234 = arith.constant 64 : i32
    %dma_start3A_235 = arith.constant 0 : i32
    %dma_start3A_236 = tpu.memref_slice %arg10[%dma_start3A_234, %dma_start3A_235] : memref<256x128xf32, #tpu.memory_space<vmem>> -> memref<64x128xf32, #tpu.memory_space<vmem>>
    %dma_start3A_237 = arith.constant 0 : i32
    %dma_start3A_238 = tpu.memref_slice %arg9[%dma_start3A_233, %dma_start3A_237] : memref<4x64xi32, #tpu.memory_space<vmem>> -> memref<1x64xi32, #tpu.memory_space<vmem>>
    %dma_start3A_239 = tpu.memref_squeeze %dma_start3A_238 : memref<1x64xi32, #tpu.memory_space<vmem>> -> memref<64xi32, #tpu.memory_space<vmem>>
    %dma_start3A_240 = arith.constant 0 : i32
    %dma_start3A_241 = arith.constant 0 : i32
    %dma_start3A_242 = tpu.memref_slice %arg2[%dma_start3A_240, %dma_start3A_241] : memref<50000x128xf32, #tpu.memory_space<hbm>> -> memref<50000x128xf32, #tpu.memory_space<hbm>>
    tpu.enqueue_indirect_dma source(%dma_start3A_242 : memref<50000x128xf32, #tpu.memory_space<hbm>>) target(%dma_start3A_236 : memref<64x128xf32, #tpu.memory_space<vmem>>) offsets(%dma_start3A_239 : memref<64xi32, #tpu.memory_space<vmem>>) semaphore(%arg13 : memref<!tpu.dma_semaphore, #tpu.memory_space<semaphore_mem>>)
    %dma_start3A_243 = arith.constant 2 : i32
    %dma_start3A_244 = arith.constant 128 : i32
    %dma_start3A_245 = arith.constant 0 : i32
    %dma_start3A_246 = tpu.memref_slice %arg10[%dma_start3A_244, %dma_start3A_245] : memref<256x128xf32, #tpu.memory_space<vmem>> -> memref<64x128xf32, #tpu.memory_space<vmem>>
    %dma_start3A_247 = arith.constant 0 : i32
    %dma_start3A_248 = tpu.memref_slice %arg9[%dma_start3A_243, %dma_start3A_247] : memref<4x64xi32, #tpu.memory_space<vmem>> -> memref<1x64xi32, #tpu.memory_space<vmem>>
    %dma_start3A_249 = tpu.memref_squeeze %dma_start3A_248 : memref<1x64xi32, #tpu.memory_space<vmem>> -> memref<64xi32, #tpu.memory_space<vmem>>
    %dma_start3A_250 = arith.constant 0 : i32
    %dma_start3A_251 = arith.constant 0 : i32
    %dma_start3A_252 = tpu.memref_slice %arg2[%dma_start3A_250, %dma_start3A_251] : memref<50000x128xf32, #tpu.memory_space<hbm>> -> memref<50000x128xf32, #tpu.memory_space<hbm>>
    tpu.enqueue_indirect_dma source(%dma_start3A_252 : memref<50000x128xf32, #tpu.memory_space<hbm>>) target(%dma_start3A_246 : memref<64x128xf32, #tpu.memory_space<vmem>>) offsets(%dma_start3A_249 : memref<64xi32, #tpu.memory_space<vmem>>) semaphore(%arg13 : memref<!tpu.dma_semaphore, #tpu.memory_space<semaphore_mem>>)
    %dma_start3A_253 = arith.constant 3 : i32
    %dma_start3A_254 = arith.constant 192 : i32
    %dma_start3A_255 = arith.constant 0 : i32
    %dma_start3A_256 = tpu.memref_slice %arg10[%dma_start3A_254, %dma_start3A_255] : memref<256x128xf32, #tpu.memory_space<vmem>> -> memref<64x128xf32, #tpu.memory_space<vmem>>
    %dma_start3A_257 = arith.constant 0 : i32
    %dma_start3A_258 = tpu.memref_slice %arg9[%dma_start3A_253, %dma_start3A_257] : memref<4x64xi32, #tpu.memory_space<vmem>> -> memref<1x64xi32, #tpu.memory_space<vmem>>
    %dma_start3A_259 = tpu.memref_squeeze %dma_start3A_258 : memref<1x64xi32, #tpu.memory_space<vmem>> -> memref<64xi32, #tpu.memory_space<vmem>>
    %dma_start3A_260 = arith.constant 0 : i32
    %dma_start3A_261 = arith.constant 0 : i32
    %dma_start3A_262 = tpu.memref_slice %arg2[%dma_start3A_260, %dma_start3A_261] : memref<50000x128xf32, #tpu.memory_space<hbm>> -> memref<50000x128xf32, #tpu.memory_space<hbm>>
    tpu.enqueue_indirect_dma source(%dma_start3A_262 : memref<50000x128xf32, #tpu.memory_space<hbm>>) target(%dma_start3A_256 : memref<64x128xf32, #tpu.memory_space<vmem>>) offsets(%dma_start3A_259 : memref<64xi32, #tpu.memory_space<vmem>>) semaphore(%arg13 : memref<!tpu.dma_semaphore, #tpu.memory_space<semaphore_mem>>)
    %dma_wait3A = arith.constant 0 : i32
    %dma_wait3A_263 = arith.constant 0 : i32
    %dma_wait3A_264 = arith.constant 0 : i32
    %dma_wait3A_265 = tpu.memref_slice %arg10[%dma_wait3A_263, %dma_wait3A_264] : memref<256x128xf32, #tpu.memory_space<vmem>> -> memref<64x128xf32, #tpu.memory_space<vmem>>
    %dma_wait3A_266 = arith.constant 0 : i32
    %dma_wait3A_267 = tpu.memref_slice %arg9[%dma_wait3A, %dma_wait3A_266] : memref<4x64xi32, #tpu.memory_space<vmem>> -> memref<1x64xi32, #tpu.memory_space<vmem>>
    %dma_wait3A_268 = tpu.memref_squeeze %dma_wait3A_267 : memref<1x64xi32, #tpu.memory_space<vmem>> -> memref<64xi32, #tpu.memory_space<vmem>>
    %dma_wait3A_269 = arith.constant 0 : i32
    %dma_wait3A_270 = arith.constant 0 : i32
    %dma_wait3A_271 = tpu.memref_slice %arg2[%dma_wait3A_269, %dma_wait3A_270] : memref<50000x128xf32, #tpu.memory_space<hbm>> -> memref<50000x128xf32, #tpu.memory_space<hbm>>
    tpu.wait_indirect_dma semaphore(%arg13 : memref<!tpu.dma_semaphore, #tpu.memory_space<semaphore_mem>>) src(%dma_wait3A_271 : memref<50000x128xf32, #tpu.memory_space<hbm>>) dst(%dma_wait3A_265 : memref<64x128xf32, #tpu.memory_space<vmem>>)
    %dma_wait3A_272 = arith.constant 1 : i32
    %dma_wait3A_273 = arith.constant 64 : i32
    %dma_wait3A_274 = arith.constant 0 : i32
    %dma_wait3A_275 = tpu.memref_slice %arg10[%dma_wait3A_273, %dma_wait3A_274] : memref<256x128xf32, #tpu.memory_space<vmem>> -> memref<64x128xf32, #tpu.memory_space<vmem>>
    %dma_wait3A_276 = arith.constant 0 : i32
    %dma_wait3A_277 = tpu.memref_slice %arg9[%dma_wait3A_272, %dma_wait3A_276] : memref<4x64xi32, #tpu.memory_space<vmem>> -> memref<1x64xi32, #tpu.memory_space<vmem>>
    %dma_wait3A_278 = tpu.memref_squeeze %dma_wait3A_277 : memref<1x64xi32, #tpu.memory_space<vmem>> -> memref<64xi32, #tpu.memory_space<vmem>>
    %dma_wait3A_279 = arith.constant 0 : i32
    %dma_wait3A_280 = arith.constant 0 : i32
    %dma_wait3A_281 = tpu.memref_slice %arg2[%dma_wait3A_279, %dma_wait3A_280] : memref<50000x128xf32, #tpu.memory_space<hbm>> -> memref<50000x128xf32, #tpu.memory_space<hbm>>
    tpu.wait_indirect_dma semaphore(%arg13 : memref<!tpu.dma_semaphore, #tpu.memory_space<semaphore_mem>>) src(%dma_wait3A_281 : memref<50000x128xf32, #tpu.memory_space<hbm>>) dst(%dma_wait3A_275 : memref<64x128xf32, #tpu.memory_space<vmem>>)
    %dma_wait3A_282 = arith.constant 2 : i32
    %dma_wait3A_283 = arith.constant 128 : i32
    %dma_wait3A_284 = arith.constant 0 : i32
    %dma_wait3A_285 = tpu.memref_slice %arg10[%dma_wait3A_283, %dma_wait3A_284] : memref<256x128xf32, #tpu.memory_space<vmem>> -> memref<64x128xf32, #tpu.memory_space<vmem>>
    %dma_wait3A_286 = arith.constant 0 : i32
    %dma_wait3A_287 = tpu.memref_slice %arg9[%dma_wait3A_282, %dma_wait3A_286] : memref<4x64xi32, #tpu.memory_space<vmem>> -> memref<1x64xi32, #tpu.memory_space<vmem>>
    %dma_wait3A_288 = tpu.memref_squeeze %dma_wait3A_287 : memref<1x64xi32, #tpu.memory_space<vmem>> -> memref<64xi32, #tpu.memory_space<vmem>>
    %dma_wait3A_289 = arith.constant 0 : i32
    %dma_wait3A_290 = arith.constant 0 : i32
    %dma_wait3A_291 = tpu.memref_slice %arg2[%dma_wait3A_289, %dma_wait3A_290] : memref<50000x128xf32, #tpu.memory_space<hbm>> -> memref<50000x128xf32, #tpu.memory_space<hbm>>
    tpu.wait_indirect_dma semaphore(%arg13 : memref<!tpu.dma_semaphore, #tpu.memory_space<semaphore_mem>>) src(%dma_wait3A_291 : memref<50000x128xf32, #tpu.memory_space<hbm>>) dst(%dma_wait3A_285 : memref<64x128xf32, #tpu.memory_space<vmem>>)
    %dma_wait3A_292 = arith.constant 3 : i32
    %dma_wait3A_293 = arith.constant 192 : i32
    %dma_wait3A_294 = arith.constant 0 : i32
    %dma_wait3A_295 = tpu.memref_slice %arg10[%dma_wait3A_293, %dma_wait3A_294] : memref<256x128xf32, #tpu.memory_space<vmem>> -> memref<64x128xf32, #tpu.memory_space<vmem>>
    %dma_wait3A_296 = arith.constant 0 : i32
    %dma_wait3A_297 = tpu.memref_slice %arg9[%dma_wait3A_292, %dma_wait3A_296] : memref<4x64xi32, #tpu.memory_space<vmem>> -> memref<1x64xi32, #tpu.memory_space<vmem>>
    %dma_wait3A_298 = tpu.memref_squeeze %dma_wait3A_297 : memref<1x64xi32, #tpu.memory_space<vmem>> -> memref<64xi32, #tpu.memory_space<vmem>>
    %dma_wait3A_299 = arith.constant 0 : i32
    %dma_wait3A_300 = arith.constant 0 : i32
    %dma_wait3A_301 = tpu.memref_slice %arg2[%dma_wait3A_299, %dma_wait3A_300] : memref<50000x128xf32, #tpu.memory_space<hbm>> -> memref<50000x128xf32, #tpu.memory_space<hbm>>
    tpu.wait_indirect_dma semaphore(%arg13 : memref<!tpu.dma_semaphore, #tpu.memory_space<semaphore_mem>>) src(%dma_wait3A_301 : memref<50000x128xf32, #tpu.memory_space<hbm>>) dst(%dma_wait3A_295 : memref<64x128xf32, #tpu.memory_space<vmem>>)
    %mul3A_302 = arith.constant 256 : i32
    %mul3A_303 = arith.muli %add3A, %mul3A_302 : i32
    "tpu.region"() ({
      %run_scoped3A = tpu.sem_alloc : memref<!tpu.dma_semaphore, #tpu.memory_space<semaphore_mem>>
      %dma_start3A_341 = arith.constant 0 : i32
      %dma_start3A_342 = tpu.memref_slice %arg6[%mul3A_303, %dma_start3A_341] : memref<8192x128xf32, #tpu.memory_space<hbm>> -> memref<256x128xf32, #tpu.memory_space<hbm>>
      %dma_start3A_343 = arith.constant 0 : i32
      %dma_start3A_344 = tpu.memref_slice %arg6[%mul3A_303, %dma_start3A_343] : memref<8192x128xf32, #tpu.memory_space<hbm>> -> memref<256x128xf32, #tpu.memory_space<hbm>>
      tpu.enqueue_dma source(%arg10 : memref<256x128xf32, #tpu.memory_space<vmem>>) target(%dma_start3A_344 : memref<256x128xf32, #tpu.memory_space<hbm>>) target_semaphore(%run_scoped3A : memref<!tpu.dma_semaphore, #tpu.memory_space<semaphore_mem>>)
      %dma_wait3A_345 = arith.constant 0 : i32
      %dma_wait3A_346 = tpu.memref_slice %arg6[%mul3A_303, %dma_wait3A_345] : memref<8192x128xf32, #tpu.memory_space<hbm>> -> memref<256x128xf32, #tpu.memory_space<hbm>>
      %dma_wait3A_347 = arith.constant 0 : i32
      %dma_wait3A_348 = tpu.memref_slice %arg6[%mul3A_303, %dma_wait3A_347] : memref<8192x128xf32, #tpu.memory_space<hbm>> -> memref<256x128xf32, #tpu.memory_space<hbm>>
      tpu.wait_dma2 semaphore(%run_scoped3A : memref<!tpu.dma_semaphore, #tpu.memory_space<semaphore_mem>>) src(%arg10 : memref<256x128xf32, #tpu.memory_space<vmem>>) dst(%dma_wait3A_348 : memref<256x128xf32, #tpu.memory_space<hbm>>)
      tpu.yield
    }) : () -> ()
    %eq3A = arith.constant 24 : i32
    %eq3A_304 = arith.cmpi eq, %add3A, %eq3A : i32
    %convert_element_type3A = arith.extui %eq3A_304 : i1 to i32
    %cond3A = arith.constant 0 : i32
    %cond3A_305 = arith.cmpi ne, %convert_element_type3A, %cond3A : i32
    scf.if %cond3A_305 {
      "tpu.region"() ({
        %run_scoped3A = tpu.sem_alloc : memref<!tpu.dma_semaphore, #tpu.memory_space<semaphore_mem>>
        tpu.enqueue_dma source(%arg5 : memref<8x32xi32, #tpu.memory_space<hbm>>) target(%arg11 : memref<8x32xi32, #tpu.memory_space<vmem>>) target_semaphore(%run_scoped3A : memref<!tpu.dma_semaphore, #tpu.memory_space<semaphore_mem>>)
        tpu.wait_dma2 semaphore(%run_scoped3A : memref<!tpu.dma_semaphore, #tpu.memory_space<semaphore_mem>>) src(%arg5 : memref<8x32xi32, #tpu.memory_space<hbm>>) dst(%arg11 : memref<8x32xi32, #tpu.memory_space<vmem>>)
        tpu.yield
      }) : () -> ()
      %dma_start3A_341 = arith.constant 0 : i32
      %dma_start3A_342 = arith.constant 0 : i32
      %dma_start3A_343 = tpu.memref_slice %arg11[%dma_start3A_341, %dma_start3A_342] : memref<8x32xi32, #tpu.memory_space<vmem>> -> memref<1x32xi32, #tpu.memory_space<vmem>>
      %dma_start3A_344 = tpu.memref_squeeze %dma_start3A_343 : memref<1x32xi32, #tpu.memory_space<vmem>> -> memref<32xi32, #tpu.memory_space<vmem>>
      %dma_start3A_345 = arith.constant 0 : i32
      %dma_start3A_346 = arith.constant 0 : i32
      %dma_start3A_347 = tpu.memref_slice %arg3[%dma_start3A_345, %dma_start3A_346] : memref<50000x128xf32, #tpu.memory_space<hbm>> -> memref<50000x128xf32, #tpu.memory_space<hbm>>
      tpu.enqueue_indirect_dma source(%dma_start3A_347 : memref<50000x128xf32, #tpu.memory_space<hbm>>) target(%arg12 : memref<32x128xf32, #tpu.memory_space<vmem>>) offsets(%dma_start3A_344 : memref<32xi32, #tpu.memory_space<vmem>>) semaphore(%arg13 : memref<!tpu.dma_semaphore, #tpu.memory_space<semaphore_mem>>)
      %dma_wait3A_348 = arith.constant 0 : i32
      %dma_wait3A_349 = arith.constant 0 : i32
      %dma_wait3A_350 = tpu.memref_slice %arg11[%dma_wait3A_348, %dma_wait3A_349] : memref<8x32xi32, #tpu.memory_space<vmem>> -> memref<1x32xi32, #tpu.memory_space<vmem>>
      %dma_wait3A_351 = tpu.memref_squeeze %dma_wait3A_350 : memref<1x32xi32, #tpu.memory_space<vmem>> -> memref<32xi32, #tpu.memory_space<vmem>>
      %dma_wait3A_352 = arith.constant 0 : i32
      %dma_wait3A_353 = arith.constant 0 : i32
      %dma_wait3A_354 = tpu.memref_slice %arg3[%dma_wait3A_352, %dma_wait3A_353] : memref<50000x128xf32, #tpu.memory_space<hbm>> -> memref<50000x128xf32, #tpu.memory_space<hbm>>
      tpu.wait_indirect_dma semaphore(%arg13 : memref<!tpu.dma_semaphore, #tpu.memory_space<semaphore_mem>>) src(%dma_wait3A_354 : memref<50000x128xf32, #tpu.memory_space<hbm>>) dst(%arg12 : memref<32x128xf32, #tpu.memory_space<vmem>>)
      "tpu.region"() ({
        %run_scoped3A = tpu.sem_alloc : memref<!tpu.dma_semaphore, #tpu.memory_space<semaphore_mem>>
        %dma_start3A_355 = arith.constant 0 : i32
        %dma_start3A_356 = arith.constant 0 : i32
        %dma_start3A_357 = tpu.memref_slice %arg7[%dma_start3A_355, %dma_start3A_356] : memref<256x128xf32, #tpu.memory_space<hbm>> -> memref<32x128xf32, #tpu.memory_space<hbm>>
        %dma_start3A_358 = arith.constant 0 : i32
        %dma_start3A_359 = arith.constant 0 : i32
        %dma_start3A_360 = tpu.memref_slice %arg7[%dma_start3A_358, %dma_start3A_359] : memref<256x128xf32, #tpu.memory_space<hbm>> -> memref<32x128xf32, #tpu.memory_space<hbm>>
        tpu.enqueue_dma source(%arg12 : memref<32x128xf32, #tpu.memory_space<vmem>>) target(%dma_start3A_360 : memref<32x128xf32, #tpu.memory_space<hbm>>) target_semaphore(%run_scoped3A : memref<!tpu.dma_semaphore, #tpu.memory_space<semaphore_mem>>)
        %dma_wait3A_361 = arith.constant 0 : i32
        %dma_wait3A_362 = arith.constant 0 : i32
        %dma_wait3A_363 = tpu.memref_slice %arg7[%dma_wait3A_361, %dma_wait3A_362] : memref<256x128xf32, #tpu.memory_space<hbm>> -> memref<32x128xf32, #tpu.memory_space<hbm>>
        %dma_wait3A_364 = arith.constant 0 : i32
        %dma_wait3A_365 = arith.constant 0 : i32
        %dma_wait3A_366 = tpu.memref_slice %arg7[%dma_wait3A_364, %dma_wait3A_365] : memref<256x128xf32, #tpu.memory_space<hbm>> -> memref<32x128xf32, #tpu.memory_space<hbm>>
        tpu.wait_dma2 semaphore(%run_scoped3A : memref<!tpu.dma_semaphore, #tpu.memory_space<semaphore_mem>>) src(%arg12 : memref<32x128xf32, #tpu.memory_space<vmem>>) dst(%dma_wait3A_366 : memref<32x128xf32, #tpu.memory_space<hbm>>)
        tpu.yield
      }) : () -> ()
    } else {
    }
    %eq3A_306 = arith.constant 25 : i32
    %eq3A_307 = arith.cmpi eq, %add3A, %eq3A_306 : i32
    %convert_element_type3A_308 = arith.extui %eq3A_307 : i1 to i32
    %cond3A_309 = arith.constant 0 : i32
    %cond3A_310 = arith.cmpi ne, %convert_element_type3A_308, %cond3A_309 : i32
    scf.if %cond3A_310 {
      "tpu.region"() ({
        %run_scoped3A = tpu.sem_alloc : memref<!tpu.dma_semaphore, #tpu.memory_space<semaphore_mem>>
        tpu.enqueue_dma source(%arg5 : memref<8x32xi32, #tpu.memory_space<hbm>>) target(%arg11 : memref<8x32xi32, #tpu.memory_space<vmem>>) target_semaphore(%run_scoped3A : memref<!tpu.dma_semaphore, #tpu.memory_space<semaphore_mem>>)
        tpu.wait_dma2 semaphore(%run_scoped3A : memref<!tpu.dma_semaphore, #tpu.memory_space<semaphore_mem>>) src(%arg5 : memref<8x32xi32, #tpu.memory_space<hbm>>) dst(%arg11 : memref<8x32xi32, #tpu.memory_space<vmem>>)
        tpu.yield
      }) : () -> ()
      %dma_start3A_341 = arith.constant 1 : i32
      %dma_start3A_342 = arith.constant 0 : i32
      %dma_start3A_343 = tpu.memref_slice %arg11[%dma_start3A_341, %dma_start3A_342] : memref<8x32xi32, #tpu.memory_space<vmem>> -> memref<1x32xi32, #tpu.memory_space<vmem>>
      %dma_start3A_344 = tpu.memref_squeeze %dma_start3A_343 : memref<1x32xi32, #tpu.memory_space<vmem>> -> memref<32xi32, #tpu.memory_space<vmem>>
      %dma_start3A_345 = arith.constant 0 : i32
      %dma_start3A_346 = arith.constant 0 : i32
      %dma_start3A_347 = tpu.memref_slice %arg3[%dma_start3A_345, %dma_start3A_346] : memref<50000x128xf32, #tpu.memory_space<hbm>> -> memref<50000x128xf32, #tpu.memory_space<hbm>>
      tpu.enqueue_indirect_dma source(%dma_start3A_347 : memref<50000x128xf32, #tpu.memory_space<hbm>>) target(%arg12 : memref<32x128xf32, #tpu.memory_space<vmem>>) offsets(%dma_start3A_344 : memref<32xi32, #tpu.memory_space<vmem>>) semaphore(%arg13 : memref<!tpu.dma_semaphore, #tpu.memory_space<semaphore_mem>>)
      %dma_wait3A_348 = arith.constant 1 : i32
      %dma_wait3A_349 = arith.constant 0 : i32
      %dma_wait3A_350 = tpu.memref_slice %arg11[%dma_wait3A_348, %dma_wait3A_349] : memref<8x32xi32, #tpu.memory_space<vmem>> -> memref<1x32xi32, #tpu.memory_space<vmem>>
      %dma_wait3A_351 = tpu.memref_squeeze %dma_wait3A_350 : memref<1x32xi32, #tpu.memory_space<vmem>> -> memref<32xi32, #tpu.memory_space<vmem>>
      %dma_wait3A_352 = arith.constant 0 : i32
      %dma_wait3A_353 = arith.constant 0 : i32
      %dma_wait3A_354 = tpu.memref_slice %arg3[%dma_wait3A_352, %dma_wait3A_353] : memref<50000x128xf32, #tpu.memory_space<hbm>> -> memref<50000x128xf32, #tpu.memory_space<hbm>>
      tpu.wait_indirect_dma semaphore(%arg13 : memref<!tpu.dma_semaphore, #tpu.memory_space<semaphore_mem>>) src(%dma_wait3A_354 : memref<50000x128xf32, #tpu.memory_space<hbm>>) dst(%arg12 : memref<32x128xf32, #tpu.memory_space<vmem>>)
      "tpu.region"() ({
        %run_scoped3A = tpu.sem_alloc : memref<!tpu.dma_semaphore, #tpu.memory_space<semaphore_mem>>
        %dma_start3A_355 = arith.constant 32 : i32
        %dma_start3A_356 = arith.constant 0 : i32
        %dma_start3A_357 = tpu.memref_slice %arg7[%dma_start3A_355, %dma_start3A_356] : memref<256x128xf32, #tpu.memory_space<hbm>> -> memref<32x128xf32, #tpu.memory_space<hbm>>
        %dma_start3A_358 = arith.constant 32 : i32
        %dma_start3A_359 = arith.constant 0 : i32
        %dma_start3A_360 = tpu.memref_slice %arg7[%dma_start3A_358, %dma_start3A_359] : memref<256x128xf32, #tpu.memory_space<hbm>> -> memref<32x128xf32, #tpu.memory_space<hbm>>
        tpu.enqueue_dma source(%arg12 : memref<32x128xf32, #tpu.memory_space<vmem>>) target(%dma_start3A_360 : memref<32x128xf32, #tpu.memory_space<hbm>>) target_semaphore(%run_scoped3A : memref<!tpu.dma_semaphore, #tpu.memory_space<semaphore_mem>>)
        %dma_wait3A_361 = arith.constant 32 : i32
        %dma_wait3A_362 = arith.constant 0 : i32
        %dma_wait3A_363 = tpu.memref_slice %arg7[%dma_wait3A_361, %dma_wait3A_362] : memref<256x128xf32, #tpu.memory_space<hbm>> -> memref<32x128xf32, #tpu.memory_space<hbm>>
        %dma_wait3A_364 = arith.constant 32 : i32
        %dma_wait3A_365 = arith.constant 0 : i32
        %dma_wait3A_366 = tpu.memref_slice %arg7[%dma_wait3A_364, %dma_wait3A_365] : memref<256x128xf32, #tpu.memory_space<hbm>> -> memref<32x128xf32, #tpu.memory_space<hbm>>
        tpu.wait_dma2 semaphore(%run_scoped3A : memref<!tpu.dma_semaphore, #tpu.memory_space<semaphore_mem>>) src(%arg12 : memref<32x128xf32, #tpu.memory_space<vmem>>) dst(%dma_wait3A_366 : memref<32x128xf32, #tpu.memory_space<hbm>>)
        tpu.yield
      }) : () -> ()
    } else {
    }
    %eq3A_311 = arith.constant 26 : i32
    %eq3A_312 = arith.cmpi eq, %add3A, %eq3A_311 : i32
    %convert_element_type3A_313 = arith.extui %eq3A_312 : i1 to i32
    %cond3A_314 = arith.constant 0 : i32
    %cond3A_315 = arith.cmpi ne, %convert_element_type3A_313, %cond3A_314 : i32
    scf.if %cond3A_315 {
      "tpu.region"() ({
        %run_scoped3A = tpu.sem_alloc : memref<!tpu.dma_semaphore, #tpu.memory_space<semaphore_mem>>
        tpu.enqueue_dma source(%arg5 : memref<8x32xi32, #tpu.memory_space<hbm>>) target(%arg11 : memref<8x32xi32, #tpu.memory_space<vmem>>) target_semaphore(%run_scoped3A : memref<!tpu.dma_semaphore, #tpu.memory_space<semaphore_mem>>)
        tpu.wait_dma2 semaphore(%run_scoped3A : memref<!tpu.dma_semaphore, #tpu.memory_space<semaphore_mem>>) src(%arg5 : memref<8x32xi32, #tpu.memory_space<hbm>>) dst(%arg11 : memref<8x32xi32, #tpu.memory_space<vmem>>)
        tpu.yield
      }) : () -> ()
      %dma_start3A_341 = arith.constant 2 : i32
      %dma_start3A_342 = arith.constant 0 : i32
      %dma_start3A_343 = tpu.memref_slice %arg11[%dma_start3A_341, %dma_start3A_342] : memref<8x32xi32, #tpu.memory_space<vmem>> -> memref<1x32xi32, #tpu.memory_space<vmem>>
      %dma_start3A_344 = tpu.memref_squeeze %dma_start3A_343 : memref<1x32xi32, #tpu.memory_space<vmem>> -> memref<32xi32, #tpu.memory_space<vmem>>
      %dma_start3A_345 = arith.constant 0 : i32
      %dma_start3A_346 = arith.constant 0 : i32
      %dma_start3A_347 = tpu.memref_slice %arg3[%dma_start3A_345, %dma_start3A_346] : memref<50000x128xf32, #tpu.memory_space<hbm>> -> memref<50000x128xf32, #tpu.memory_space<hbm>>
      tpu.enqueue_indirect_dma source(%dma_start3A_347 : memref<50000x128xf32, #tpu.memory_space<hbm>>) target(%arg12 : memref<32x128xf32, #tpu.memory_space<vmem>>) offsets(%dma_start3A_344 : memref<32xi32, #tpu.memory_space<vmem>>) semaphore(%arg13 : memref<!tpu.dma_semaphore, #tpu.memory_space<semaphore_mem>>)
      %dma_wait3A_348 = arith.constant 2 : i32
      %dma_wait3A_349 = arith.constant 0 : i32
      %dma_wait3A_350 = tpu.memref_slice %arg11[%dma_wait3A_348, %dma_wait3A_349] : memref<8x32xi32, #tpu.memory_space<vmem>> -> memref<1x32xi32, #tpu.memory_space<vmem>>
      %dma_wait3A_351 = tpu.memref_squeeze %dma_wait3A_350 : memref<1x32xi32, #tpu.memory_space<vmem>> -> memref<32xi32, #tpu.memory_space<vmem>>
      %dma_wait3A_352 = arith.constant 0 : i32
      %dma_wait3A_353 = arith.constant 0 : i32
      %dma_wait3A_354 = tpu.memref_slice %arg3[%dma_wait3A_352, %dma_wait3A_353] : memref<50000x128xf32, #tpu.memory_space<hbm>> -> memref<50000x128xf32, #tpu.memory_space<hbm>>
      tpu.wait_indirect_dma semaphore(%arg13 : memref<!tpu.dma_semaphore, #tpu.memory_space<semaphore_mem>>) src(%dma_wait3A_354 : memref<50000x128xf32, #tpu.memory_space<hbm>>) dst(%arg12 : memref<32x128xf32, #tpu.memory_space<vmem>>)
      "tpu.region"() ({
        %run_scoped3A = tpu.sem_alloc : memref<!tpu.dma_semaphore, #tpu.memory_space<semaphore_mem>>
        %dma_start3A_355 = arith.constant 64 : i32
        %dma_start3A_356 = arith.constant 0 : i32
        %dma_start3A_357 = tpu.memref_slice %arg7[%dma_start3A_355, %dma_start3A_356] : memref<256x128xf32, #tpu.memory_space<hbm>> -> memref<32x128xf32, #tpu.memory_space<hbm>>
        %dma_start3A_358 = arith.constant 64 : i32
        %dma_start3A_359 = arith.constant 0 : i32
        %dma_start3A_360 = tpu.memref_slice %arg7[%dma_start3A_358, %dma_start3A_359] : memref<256x128xf32, #tpu.memory_space<hbm>> -> memref<32x128xf32, #tpu.memory_space<hbm>>
        tpu.enqueue_dma source(%arg12 : memref<32x128xf32, #tpu.memory_space<vmem>>) target(%dma_start3A_360 : memref<32x128xf32, #tpu.memory_space<hbm>>) target_semaphore(%run_scoped3A : memref<!tpu.dma_semaphore, #tpu.memory_space<semaphore_mem>>)
        %dma_wait3A_361 = arith.constant 64 : i32
        %dma_wait3A_362 = arith.constant 0 : i32
        %dma_wait3A_363 = tpu.memref_slice %arg7[%dma_wait3A_361, %dma_wait3A_362] : memref<256x128xf32, #tpu.memory_space<hbm>> -> memref<32x128xf32, #tpu.memory_space<hbm>>
        %dma_wait3A_364 = arith.constant 64 : i32
        %dma_wait3A_365 = arith.constant 0 : i32
        %dma_wait3A_366 = tpu.memref_slice %arg7[%dma_wait3A_364, %dma_wait3A_365] : memref<256x128xf32, #tpu.memory_space<hbm>> -> memref<32x128xf32, #tpu.memory_space<hbm>>
        tpu.wait_dma2 semaphore(%run_scoped3A : memref<!tpu.dma_semaphore, #tpu.memory_space<semaphore_mem>>) src(%arg12 : memref<32x128xf32, #tpu.memory_space<vmem>>) dst(%dma_wait3A_366 : memref<32x128xf32, #tpu.memory_space<hbm>>)
        tpu.yield
      }) : () -> ()
    } else {
    }
    %eq3A_316 = arith.constant 27 : i32
    %eq3A_317 = arith.cmpi eq, %add3A, %eq3A_316 : i32
    %convert_element_type3A_318 = arith.extui %eq3A_317 : i1 to i32
    %cond3A_319 = arith.constant 0 : i32
    %cond3A_320 = arith.cmpi ne, %convert_element_type3A_318, %cond3A_319 : i32
    scf.if %cond3A_320 {
      "tpu.region"() ({
        %run_scoped3A = tpu.sem_alloc : memref<!tpu.dma_semaphore, #tpu.memory_space<semaphore_mem>>
        tpu.enqueue_dma source(%arg5 : memref<8x32xi32, #tpu.memory_space<hbm>>) target(%arg11 : memref<8x32xi32, #tpu.memory_space<vmem>>) target_semaphore(%run_scoped3A : memref<!tpu.dma_semaphore, #tpu.memory_space<semaphore_mem>>)
        tpu.wait_dma2 semaphore(%run_scoped3A : memref<!tpu.dma_semaphore, #tpu.memory_space<semaphore_mem>>) src(%arg5 : memref<8x32xi32, #tpu.memory_space<hbm>>) dst(%arg11 : memref<8x32xi32, #tpu.memory_space<vmem>>)
        tpu.yield
      }) : () -> ()
      %dma_start3A_341 = arith.constant 3 : i32
      %dma_start3A_342 = arith.constant 0 : i32
      %dma_start3A_343 = tpu.memref_slice %arg11[%dma_start3A_341, %dma_start3A_342] : memref<8x32xi32, #tpu.memory_space<vmem>> -> memref<1x32xi32, #tpu.memory_space<vmem>>
      %dma_start3A_344 = tpu.memref_squeeze %dma_start3A_343 : memref<1x32xi32, #tpu.memory_space<vmem>> -> memref<32xi32, #tpu.memory_space<vmem>>
      %dma_start3A_345 = arith.constant 0 : i32
      %dma_start3A_346 = arith.constant 0 : i32
      %dma_start3A_347 = tpu.memref_slice %arg3[%dma_start3A_345, %dma_start3A_346] : memref<50000x128xf32, #tpu.memory_space<hbm>> -> memref<50000x128xf32, #tpu.memory_space<hbm>>
      tpu.enqueue_indirect_dma source(%dma_start3A_347 : memref<50000x128xf32, #tpu.memory_space<hbm>>) target(%arg12 : memref<32x128xf32, #tpu.memory_space<vmem>>) offsets(%dma_start3A_344 : memref<32xi32, #tpu.memory_space<vmem>>) semaphore(%arg13 : memref<!tpu.dma_semaphore, #tpu.memory_space<semaphore_mem>>)
      %dma_wait3A_348 = arith.constant 3 : i32
      %dma_wait3A_349 = arith.constant 0 : i32
      %dma_wait3A_350 = tpu.memref_slice %arg11[%dma_wait3A_348, %dma_wait3A_349] : memref<8x32xi32, #tpu.memory_space<vmem>> -> memref<1x32xi32, #tpu.memory_space<vmem>>
      %dma_wait3A_351 = tpu.memref_squeeze %dma_wait3A_350 : memref<1x32xi32, #tpu.memory_space<vmem>> -> memref<32xi32, #tpu.memory_space<vmem>>
      %dma_wait3A_352 = arith.constant 0 : i32
      %dma_wait3A_353 = arith.constant 0 : i32
      %dma_wait3A_354 = tpu.memref_slice %arg3[%dma_wait3A_352, %dma_wait3A_353] : memref<50000x128xf32, #tpu.memory_space<hbm>> -> memref<50000x128xf32, #tpu.memory_space<hbm>>
      tpu.wait_indirect_dma semaphore(%arg13 : memref<!tpu.dma_semaphore, #tpu.memory_space<semaphore_mem>>) src(%dma_wait3A_354 : memref<50000x128xf32, #tpu.memory_space<hbm>>) dst(%arg12 : memref<32x128xf32, #tpu.memory_space<vmem>>)
      "tpu.region"() ({
        %run_scoped3A = tpu.sem_alloc : memref<!tpu.dma_semaphore, #tpu.memory_space<semaphore_mem>>
        %dma_start3A_355 = arith.constant 96 : i32
        %dma_start3A_356 = arith.constant 0 : i32
        %dma_start3A_357 = tpu.memref_slice %arg7[%dma_start3A_355, %dma_start3A_356] : memref<256x128xf32, #tpu.memory_space<hbm>> -> memref<32x128xf32, #tpu.memory_space<hbm>>
        %dma_start3A_358 = arith.constant 96 : i32
        %dma_start3A_359 = arith.constant 0 : i32
        %dma_start3A_360 = tpu.memref_slice %arg7[%dma_start3A_358, %dma_start3A_359] : memref<256x128xf32, #tpu.memory_space<hbm>> -> memref<32x128xf32, #tpu.memory_space<hbm>>
        tpu.enqueue_dma source(%arg12 : memref<32x128xf32, #tpu.memory_space<vmem>>) target(%dma_start3A_360 : memref<32x128xf32, #tpu.memory_space<hbm>>) target_semaphore(%run_scoped3A : memref<!tpu.dma_semaphore, #tpu.memory_space<semaphore_mem>>)
        %dma_wait3A_361 = arith.constant 96 : i32
        %dma_wait3A_362 = arith.constant 0 : i32
        %dma_wait3A_363 = tpu.memref_slice %arg7[%dma_wait3A_361, %dma_wait3A_362] : memref<256x128xf32, #tpu.memory_space<hbm>> -> memref<32x128xf32, #tpu.memory_space<hbm>>
        %dma_wait3A_364 = arith.constant 96 : i32
        %dma_wait3A_365 = arith.constant 0 : i32
        %dma_wait3A_366 = tpu.memref_slice %arg7[%dma_wait3A_364, %dma_wait3A_365] : memref<256x128xf32, #tpu.memory_space<hbm>> -> memref<32x128xf32, #tpu.memory_space<hbm>>
        tpu.wait_dma2 semaphore(%run_scoped3A : memref<!tpu.dma_semaphore, #tpu.memory_space<semaphore_mem>>) src(%arg12 : memref<32x128xf32, #tpu.memory_space<vmem>>) dst(%dma_wait3A_366 : memref<32x128xf32, #tpu.memory_space<hbm>>)
        tpu.yield
      }) : () -> ()
    } else {
    }
    %eq3A_321 = arith.constant 28 : i32
    %eq3A_322 = arith.cmpi eq, %add3A, %eq3A_321 : i32
    %convert_element_type3A_323 = arith.extui %eq3A_322 : i1 to i32
    %cond3A_324 = arith.constant 0 : i32
    %cond3A_325 = arith.cmpi ne, %convert_element_type3A_323, %cond3A_324 : i32
    scf.if %cond3A_325 {
      "tpu.region"() ({
        %run_scoped3A = tpu.sem_alloc : memref<!tpu.dma_semaphore, #tpu.memory_space<semaphore_mem>>
        tpu.enqueue_dma source(%arg5 : memref<8x32xi32, #tpu.memory_space<hbm>>) target(%arg11 : memref<8x32xi32, #tpu.memory_space<vmem>>) target_semaphore(%run_scoped3A : memref<!tpu.dma_semaphore, #tpu.memory_space<semaphore_mem>>)
        tpu.wait_dma2 semaphore(%run_scoped3A : memref<!tpu.dma_semaphore, #tpu.memory_space<semaphore_mem>>) src(%arg5 : memref<8x32xi32, #tpu.memory_space<hbm>>) dst(%arg11 : memref<8x32xi32, #tpu.memory_space<vmem>>)
        tpu.yield
      }) : () -> ()
      %dma_start3A_341 = arith.constant 4 : i32
      %dma_start3A_342 = arith.constant 0 : i32
      %dma_start3A_343 = tpu.memref_slice %arg11[%dma_start3A_341, %dma_start3A_342] : memref<8x32xi32, #tpu.memory_space<vmem>> -> memref<1x32xi32, #tpu.memory_space<vmem>>
      %dma_start3A_344 = tpu.memref_squeeze %dma_start3A_343 : memref<1x32xi32, #tpu.memory_space<vmem>> -> memref<32xi32, #tpu.memory_space<vmem>>
      %dma_start3A_345 = arith.constant 0 : i32
      %dma_start3A_346 = arith.constant 0 : i32
      %dma_start3A_347 = tpu.memref_slice %arg3[%dma_start3A_345, %dma_start3A_346] : memref<50000x128xf32, #tpu.memory_space<hbm>> -> memref<50000x128xf32, #tpu.memory_space<hbm>>
      tpu.enqueue_indirect_dma source(%dma_start3A_347 : memref<50000x128xf32, #tpu.memory_space<hbm>>) target(%arg12 : memref<32x128xf32, #tpu.memory_space<vmem>>) offsets(%dma_start3A_344 : memref<32xi32, #tpu.memory_space<vmem>>) semaphore(%arg13 : memref<!tpu.dma_semaphore, #tpu.memory_space<semaphore_mem>>)
      %dma_wait3A_348 = arith.constant 4 : i32
      %dma_wait3A_349 = arith.constant 0 : i32
      %dma_wait3A_350 = tpu.memref_slice %arg11[%dma_wait3A_348, %dma_wait3A_349] : memref<8x32xi32, #tpu.memory_space<vmem>> -> memref<1x32xi32, #tpu.memory_space<vmem>>
      %dma_wait3A_351 = tpu.memref_squeeze %dma_wait3A_350 : memref<1x32xi32, #tpu.memory_space<vmem>> -> memref<32xi32, #tpu.memory_space<vmem>>
      %dma_wait3A_352 = arith.constant 0 : i32
      %dma_wait3A_353 = arith.constant 0 : i32
      %dma_wait3A_354 = tpu.memref_slice %arg3[%dma_wait3A_352, %dma_wait3A_353] : memref<50000x128xf32, #tpu.memory_space<hbm>> -> memref<50000x128xf32, #tpu.memory_space<hbm>>
      tpu.wait_indirect_dma semaphore(%arg13 : memref<!tpu.dma_semaphore, #tpu.memory_space<semaphore_mem>>) src(%dma_wait3A_354 : memref<50000x128xf32, #tpu.memory_space<hbm>>) dst(%arg12 : memref<32x128xf32, #tpu.memory_space<vmem>>)
      "tpu.region"() ({
        %run_scoped3A = tpu.sem_alloc : memref<!tpu.dma_semaphore, #tpu.memory_space<semaphore_mem>>
        %dma_start3A_355 = arith.constant 128 : i32
        %dma_start3A_356 = arith.constant 0 : i32
        %dma_start3A_357 = tpu.memref_slice %arg7[%dma_start3A_355, %dma_start3A_356] : memref<256x128xf32, #tpu.memory_space<hbm>> -> memref<32x128xf32, #tpu.memory_space<hbm>>
        %dma_start3A_358 = arith.constant 128 : i32
        %dma_start3A_359 = arith.constant 0 : i32
        %dma_start3A_360 = tpu.memref_slice %arg7[%dma_start3A_358, %dma_start3A_359] : memref<256x128xf32, #tpu.memory_space<hbm>> -> memref<32x128xf32, #tpu.memory_space<hbm>>
        tpu.enqueue_dma source(%arg12 : memref<32x128xf32, #tpu.memory_space<vmem>>) target(%dma_start3A_360 : memref<32x128xf32, #tpu.memory_space<hbm>>) target_semaphore(%run_scoped3A : memref<!tpu.dma_semaphore, #tpu.memory_space<semaphore_mem>>)
        %dma_wait3A_361 = arith.constant 128 : i32
        %dma_wait3A_362 = arith.constant 0 : i32
        %dma_wait3A_363 = tpu.memref_slice %arg7[%dma_wait3A_361, %dma_wait3A_362] : memref<256x128xf32, #tpu.memory_space<hbm>> -> memref<32x128xf32, #tpu.memory_space<hbm>>
        %dma_wait3A_364 = arith.constant 128 : i32
        %dma_wait3A_365 = arith.constant 0 : i32
        %dma_wait3A_366 = tpu.memref_slice %arg7[%dma_wait3A_364, %dma_wait3A_365] : memref<256x128xf32, #tpu.memory_space<hbm>> -> memref<32x128xf32, #tpu.memory_space<hbm>>
        tpu.wait_dma2 semaphore(%run_scoped3A : memref<!tpu.dma_semaphore, #tpu.memory_space<semaphore_mem>>) src(%arg12 : memref<32x128xf32, #tpu.memory_space<vmem>>) dst(%dma_wait3A_366 : memref<32x128xf32, #tpu.memory_space<hbm>>)
        tpu.yield
      }) : () -> ()
    } else {
    }
    %eq3A_326 = arith.constant 29 : i32
    %eq3A_327 = arith.cmpi eq, %add3A, %eq3A_326 : i32
    %convert_element_type3A_328 = arith.extui %eq3A_327 : i1 to i32
    %cond3A_329 = arith.constant 0 : i32
    %cond3A_330 = arith.cmpi ne, %convert_element_type3A_328, %cond3A_329 : i32
    scf.if %cond3A_330 {
      "tpu.region"() ({
        %run_scoped3A = tpu.sem_alloc : memref<!tpu.dma_semaphore, #tpu.memory_space<semaphore_mem>>
        tpu.enqueue_dma source(%arg5 : memref<8x32xi32, #tpu.memory_space<hbm>>) target(%arg11 : memref<8x32xi32, #tpu.memory_space<vmem>>) target_semaphore(%run_scoped3A : memref<!tpu.dma_semaphore, #tpu.memory_space<semaphore_mem>>)
        tpu.wait_dma2 semaphore(%run_scoped3A : memref<!tpu.dma_semaphore, #tpu.memory_space<semaphore_mem>>) src(%arg5 : memref<8x32xi32, #tpu.memory_space<hbm>>) dst(%arg11 : memref<8x32xi32, #tpu.memory_space<vmem>>)
        tpu.yield
      }) : () -> ()
      %dma_start3A_341 = arith.constant 5 : i32
      %dma_start3A_342 = arith.constant 0 : i32
      %dma_start3A_343 = tpu.memref_slice %arg11[%dma_start3A_341, %dma_start3A_342] : memref<8x32xi32, #tpu.memory_space<vmem>> -> memref<1x32xi32, #tpu.memory_space<vmem>>
      %dma_start3A_344 = tpu.memref_squeeze %dma_start3A_343 : memref<1x32xi32, #tpu.memory_space<vmem>> -> memref<32xi32, #tpu.memory_space<vmem>>
      %dma_start3A_345 = arith.constant 0 : i32
      %dma_start3A_346 = arith.constant 0 : i32
      %dma_start3A_347 = tpu.memref_slice %arg3[%dma_start3A_345, %dma_start3A_346] : memref<50000x128xf32, #tpu.memory_space<hbm>> -> memref<50000x128xf32, #tpu.memory_space<hbm>>
      tpu.enqueue_indirect_dma source(%dma_start3A_347 : memref<50000x128xf32, #tpu.memory_space<hbm>>) target(%arg12 : memref<32x128xf32, #tpu.memory_space<vmem>>) offsets(%dma_start3A_344 : memref<32xi32, #tpu.memory_space<vmem>>) semaphore(%arg13 : memref<!tpu.dma_semaphore, #tpu.memory_space<semaphore_mem>>)
      %dma_wait3A_348 = arith.constant 5 : i32
      %dma_wait3A_349 = arith.constant 0 : i32
      %dma_wait3A_350 = tpu.memref_slice %arg11[%dma_wait3A_348, %dma_wait3A_349] : memref<8x32xi32, #tpu.memory_space<vmem>> -> memref<1x32xi32, #tpu.memory_space<vmem>>
      %dma_wait3A_351 = tpu.memref_squeeze %dma_wait3A_350 : memref<1x32xi32, #tpu.memory_space<vmem>> -> memref<32xi32, #tpu.memory_space<vmem>>
      %dma_wait3A_352 = arith.constant 0 : i32
      %dma_wait3A_353 = arith.constant 0 : i32
      %dma_wait3A_354 = tpu.memref_slice %arg3[%dma_wait3A_352, %dma_wait3A_353] : memref<50000x128xf32, #tpu.memory_space<hbm>> -> memref<50000x128xf32, #tpu.memory_space<hbm>>
      tpu.wait_indirect_dma semaphore(%arg13 : memref<!tpu.dma_semaphore, #tpu.memory_space<semaphore_mem>>) src(%dma_wait3A_354 : memref<50000x128xf32, #tpu.memory_space<hbm>>) dst(%arg12 : memref<32x128xf32, #tpu.memory_space<vmem>>)
      "tpu.region"() ({
        %run_scoped3A = tpu.sem_alloc : memref<!tpu.dma_semaphore, #tpu.memory_space<semaphore_mem>>
        %dma_start3A_355 = arith.constant 160 : i32
        %dma_start3A_356 = arith.constant 0 : i32
        %dma_start3A_357 = tpu.memref_slice %arg7[%dma_start3A_355, %dma_start3A_356] : memref<256x128xf32, #tpu.memory_space<hbm>> -> memref<32x128xf32, #tpu.memory_space<hbm>>
        %dma_start3A_358 = arith.constant 160 : i32
        %dma_start3A_359 = arith.constant 0 : i32
        %dma_start3A_360 = tpu.memref_slice %arg7[%dma_start3A_358, %dma_start3A_359] : memref<256x128xf32, #tpu.memory_space<hbm>> -> memref<32x128xf32, #tpu.memory_space<hbm>>
        tpu.enqueue_dma source(%arg12 : memref<32x128xf32, #tpu.memory_space<vmem>>) target(%dma_start3A_360 : memref<32x128xf32, #tpu.memory_space<hbm>>) target_semaphore(%run_scoped3A : memref<!tpu.dma_semaphore, #tpu.memory_space<semaphore_mem>>)
        %dma_wait3A_361 = arith.constant 160 : i32
        %dma_wait3A_362 = arith.constant 0 : i32
        %dma_wait3A_363 = tpu.memref_slice %arg7[%dma_wait3A_361, %dma_wait3A_362] : memref<256x128xf32, #tpu.memory_space<hbm>> -> memref<32x128xf32, #tpu.memory_space<hbm>>
        %dma_wait3A_364 = arith.constant 160 : i32
        %dma_wait3A_365 = arith.constant 0 : i32
        %dma_wait3A_366 = tpu.memref_slice %arg7[%dma_wait3A_364, %dma_wait3A_365] : memref<256x128xf32, #tpu.memory_space<hbm>> -> memref<32x128xf32, #tpu.memory_space<hbm>>
        tpu.wait_dma2 semaphore(%run_scoped3A : memref<!tpu.dma_semaphore, #tpu.memory_space<semaphore_mem>>) src(%arg12 : memref<32x128xf32, #tpu.memory_space<vmem>>) dst(%dma_wait3A_366 : memref<32x128xf32, #tpu.memory_space<hbm>>)
        tpu.yield
      }) : () -> ()
    } else {
    }
    %eq3A_331 = arith.constant 30 : i32
    %eq3A_332 = arith.cmpi eq, %add3A, %eq3A_331 : i32
    %convert_element_type3A_333 = arith.extui %eq3A_332 : i1 to i32
    %cond3A_334 = arith.constant 0 : i32
    %cond3A_335 = arith.cmpi ne, %convert_element_type3A_333, %cond3A_334 : i32
    scf.if %cond3A_335 {
      "tpu.region"() ({
        %run_scoped3A = tpu.sem_alloc : memref<!tpu.dma_semaphore, #tpu.memory_space<semaphore_mem>>
        tpu.enqueue_dma source(%arg5 : memref<8x32xi32, #tpu.memory_space<hbm>>) target(%arg11 : memref<8x32xi32, #tpu.memory_space<vmem>>) target_semaphore(%run_scoped3A : memref<!tpu.dma_semaphore, #tpu.memory_space<semaphore_mem>>)
        tpu.wait_dma2 semaphore(%run_scoped3A : memref<!tpu.dma_semaphore, #tpu.memory_space<semaphore_mem>>) src(%arg5 : memref<8x32xi32, #tpu.memory_space<hbm>>) dst(%arg11 : memref<8x32xi32, #tpu.memory_space<vmem>>)
        tpu.yield
      }) : () -> ()
      %dma_start3A_341 = arith.constant 6 : i32
      %dma_start3A_342 = arith.constant 0 : i32
      %dma_start3A_343 = tpu.memref_slice %arg11[%dma_start3A_341, %dma_start3A_342] : memref<8x32xi32, #tpu.memory_space<vmem>> -> memref<1x32xi32, #tpu.memory_space<vmem>>
      %dma_start3A_344 = tpu.memref_squeeze %dma_start3A_343 : memref<1x32xi32, #tpu.memory_space<vmem>> -> memref<32xi32, #tpu.memory_space<vmem>>
      %dma_start3A_345 = arith.constant 0 : i32
      %dma_start3A_346 = arith.constant 0 : i32
      %dma_start3A_347 = tpu.memref_slice %arg3[%dma_start3A_345, %dma_start3A_346] : memref<50000x128xf32, #tpu.memory_space<hbm>> -> memref<50000x128xf32, #tpu.memory_space<hbm>>
      tpu.enqueue_indirect_dma source(%dma_start3A_347 : memref<50000x128xf32, #tpu.memory_space<hbm>>) target(%arg12 : memref<32x128xf32, #tpu.memory_space<vmem>>) offsets(%dma_start3A_344 : memref<32xi32, #tpu.memory_space<vmem>>) semaphore(%arg13 : memref<!tpu.dma_semaphore, #tpu.memory_space<semaphore_mem>>)
      %dma_wait3A_348 = arith.constant 6 : i32
      %dma_wait3A_349 = arith.constant 0 : i32
      %dma_wait3A_350 = tpu.memref_slice %arg11[%dma_wait3A_348, %dma_wait3A_349] : memref<8x32xi32, #tpu.memory_space<vmem>> -> memref<1x32xi32, #tpu.memory_space<vmem>>
      %dma_wait3A_351 = tpu.memref_squeeze %dma_wait3A_350 : memref<1x32xi32, #tpu.memory_space<vmem>> -> memref<32xi32, #tpu.memory_space<vmem>>
      %dma_wait3A_352 = arith.constant 0 : i32
      %dma_wait3A_353 = arith.constant 0 : i32
      %dma_wait3A_354 = tpu.memref_slice %arg3[%dma_wait3A_352, %dma_wait3A_353] : memref<50000x128xf32, #tpu.memory_space<hbm>> -> memref<50000x128xf32, #tpu.memory_space<hbm>>
      tpu.wait_indirect_dma semaphore(%arg13 : memref<!tpu.dma_semaphore, #tpu.memory_space<semaphore_mem>>) src(%dma_wait3A_354 : memref<50000x128xf32, #tpu.memory_space<hbm>>) dst(%arg12 : memref<32x128xf32, #tpu.memory_space<vmem>>)
      "tpu.region"() ({
        %run_scoped3A = tpu.sem_alloc : memref<!tpu.dma_semaphore, #tpu.memory_space<semaphore_mem>>
        %dma_start3A_355 = arith.constant 192 : i32
        %dma_start3A_356 = arith.constant 0 : i32
        %dma_start3A_357 = tpu.memref_slice %arg7[%dma_start3A_355, %dma_start3A_356] : memref<256x128xf32, #tpu.memory_space<hbm>> -> memref<32x128xf32, #tpu.memory_space<hbm>>
        %dma_start3A_358 = arith.constant 192 : i32
        %dma_start3A_359 = arith.constant 0 : i32
        %dma_start3A_360 = tpu.memref_slice %arg7[%dma_start3A_358, %dma_start3A_359] : memref<256x128xf32, #tpu.memory_space<hbm>> -> memref<32x128xf32, #tpu.memory_space<hbm>>
        tpu.enqueue_dma source(%arg12 : memref<32x128xf32, #tpu.memory_space<vmem>>) target(%dma_start3A_360 : memref<32x128xf32, #tpu.memory_space<hbm>>) target_semaphore(%run_scoped3A : memref<!tpu.dma_semaphore, #tpu.memory_space<semaphore_mem>>)
        %dma_wait3A_361 = arith.constant 192 : i32
        %dma_wait3A_362 = arith.constant 0 : i32
        %dma_wait3A_363 = tpu.memref_slice %arg7[%dma_wait3A_361, %dma_wait3A_362] : memref<256x128xf32, #tpu.memory_space<hbm>> -> memref<32x128xf32, #tpu.memory_space<hbm>>
        %dma_wait3A_364 = arith.constant 192 : i32
        %dma_wait3A_365 = arith.constant 0 : i32
        %dma_wait3A_366 = tpu.memref_slice %arg7[%dma_wait3A_364, %dma_wait3A_365] : memref<256x128xf32, #tpu.memory_space<hbm>> -> memref<32x128xf32, #tpu.memory_space<hbm>>
        tpu.wait_dma2 semaphore(%run_scoped3A : memref<!tpu.dma_semaphore, #tpu.memory_space<semaphore_mem>>) src(%arg12 : memref<32x128xf32, #tpu.memory_space<vmem>>) dst(%dma_wait3A_366 : memref<32x128xf32, #tpu.memory_space<hbm>>)
        tpu.yield
      }) : () -> ()
    } else {
    }
    %eq3A_336 = arith.constant 31 : i32
    %eq3A_337 = arith.cmpi eq, %add3A, %eq3A_336 : i32
    %convert_element_type3A_338 = arith.extui %eq3A_337 : i1 to i32
    %cond3A_339 = arith.constant 0 : i32
    %cond3A_340 = arith.cmpi ne, %convert_element_type3A_338, %cond3A_339 : i32
    scf.if %cond3A_340 {
      "tpu.region"() ({
        %run_scoped3A = tpu.sem_alloc : memref<!tpu.dma_semaphore, #tpu.memory_space<semaphore_mem>>
        tpu.enqueue_dma source(%arg5 : memref<8x32xi32, #tpu.memory_space<hbm>>) target(%arg11 : memref<8x32xi32, #tpu.memory_space<vmem>>) target_semaphore(%run_scoped3A : memref<!tpu.dma_semaphore, #tpu.memory_space<semaphore_mem>>)
        tpu.wait_dma2 semaphore(%run_scoped3A : memref<!tpu.dma_semaphore, #tpu.memory_space<semaphore_mem>>) src(%arg5 : memref<8x32xi32, #tpu.memory_space<hbm>>) dst(%arg11 : memref<8x32xi32, #tpu.memory_space<vmem>>)
        tpu.yield
      }) : () -> ()
      %dma_start3A_341 = arith.constant 7 : i32
      %dma_start3A_342 = arith.constant 0 : i32
      %dma_start3A_343 = tpu.memref_slice %arg11[%dma_start3A_341, %dma_start3A_342] : memref<8x32xi32, #tpu.memory_space<vmem>> -> memref<1x32xi32, #tpu.memory_space<vmem>>
      %dma_start3A_344 = tpu.memref_squeeze %dma_start3A_343 : memref<1x32xi32, #tpu.memory_space<vmem>> -> memref<32xi32, #tpu.memory_space<vmem>>
      %dma_start3A_345 = arith.constant 0 : i32
      %dma_start3A_346 = arith.constant 0 : i32
      %dma_start3A_347 = tpu.memref_slice %arg3[%dma_start3A_345, %dma_start3A_346] : memref<50000x128xf32, #tpu.memory_space<hbm>> -> memref<50000x128xf32, #tpu.memory_space<hbm>>
      tpu.enqueue_indirect_dma source(%dma_start3A_347 : memref<50000x128xf32, #tpu.memory_space<hbm>>) target(%arg12 : memref<32x128xf32, #tpu.memory_space<vmem>>) offsets(%dma_start3A_344 : memref<32xi32, #tpu.memory_space<vmem>>) semaphore(%arg13 : memref<!tpu.dma_semaphore, #tpu.memory_space<semaphore_mem>>)
      %dma_wait3A_348 = arith.constant 7 : i32
      %dma_wait3A_349 = arith.constant 0 : i32
      %dma_wait3A_350 = tpu.memref_slice %arg11[%dma_wait3A_348, %dma_wait3A_349] : memref<8x32xi32, #tpu.memory_space<vmem>> -> memref<1x32xi32, #tpu.memory_space<vmem>>
      %dma_wait3A_351 = tpu.memref_squeeze %dma_wait3A_350 : memref<1x32xi32, #tpu.memory_space<vmem>> -> memref<32xi32, #tpu.memory_space<vmem>>
      %dma_wait3A_352 = arith.constant 0 : i32
      %dma_wait3A_353 = arith.constant 0 : i32
      %dma_wait3A_354 = tpu.memref_slice %arg3[%dma_wait3A_352, %dma_wait3A_353] : memref<50000x128xf32, #tpu.memory_space<hbm>> -> memref<50000x128xf32, #tpu.memory_space<hbm>>
      tpu.wait_indirect_dma semaphore(%arg13 : memref<!tpu.dma_semaphore, #tpu.memory_space<semaphore_mem>>) src(%dma_wait3A_354 : memref<50000x128xf32, #tpu.memory_space<hbm>>) dst(%arg12 : memref<32x128xf32, #tpu.memory_space<vmem>>)
      "tpu.region"() ({
        %run_scoped3A = tpu.sem_alloc : memref<!tpu.dma_semaphore, #tpu.memory_space<semaphore_mem>>
        %dma_start3A_355 = arith.constant 224 : i32
        %dma_start3A_356 = arith.constant 0 : i32
        %dma_start3A_357 = tpu.memref_slice %arg7[%dma_start3A_355, %dma_start3A_356] : memref<256x128xf32, #tpu.memory_space<hbm>> -> memref<32x128xf32, #tpu.memory_space<hbm>>
        %dma_start3A_358 = arith.constant 224 : i32
        %dma_start3A_359 = arith.constant 0 : i32
        %dma_start3A_360 = tpu.memref_slice %arg7[%dma_start3A_358, %dma_start3A_359] : memref<256x128xf32, #tpu.memory_space<hbm>> -> memref<32x128xf32, #tpu.memory_space<hbm>>
        tpu.enqueue_dma source(%arg12 : memref<32x128xf32, #tpu.memory_space<vmem>>) target(%dma_start3A_360 : memref<32x128xf32, #tpu.memory_space<hbm>>) target_semaphore(%run_scoped3A : memref<!tpu.dma_semaphore, #tpu.memory_space<semaphore_mem>>)
        %dma_wait3A_361 = arith.constant 224 : i32
        %dma_wait3A_362 = arith.constant 0 : i32
        %dma_wait3A_363 = tpu.memref_slice %arg7[%dma_wait3A_361, %dma_wait3A_362] : memref<256x128xf32, #tpu.memory_space<hbm>> -> memref<32x128xf32, #tpu.memory_space<hbm>>
        %dma_wait3A_364 = arith.constant 224 : i32
        %dma_wait3A_365 = arith.constant 0 : i32
        %dma_wait3A_366 = tpu.memref_slice %arg7[%dma_wait3A_364, %dma_wait3A_365] : memref<256x128xf32, #tpu.memory_space<hbm>> -> memref<32x128xf32, #tpu.memory_space<hbm>>
        tpu.wait_dma2 semaphore(%run_scoped3A : memref<!tpu.dma_semaphore, #tpu.memory_space<semaphore_mem>>) src(%arg12 : memref<32x128xf32, #tpu.memory_space<vmem>>) dst(%dma_wait3A_366 : memref<32x128xf32, #tpu.memory_space<hbm>>)
        tpu.yield
      }) : () -> ()
    } else {
    }
    return
  }
}

module attributes {stable_mosaic.version = 14 : i64} {
  func.func @_dense_body(%arg0: i32, %arg1: memref<2048x128xf32, #tpu.memory_space<vmem>>, %arg2: memref<16x128xi32, #tpu.memory_space<vmem>>, %arg3: memref<16x128xi32, #tpu.memory_space<vmem>>, %arg4: memref<256x128xf32, #tpu.memory_space<vmem>>, %arg5: memref<256x1xf32, #tpu.memory_space<vmem>>, %arg6: memref<16x16xf32, #tpu.memory_space<vmem>>, %arg7: memref<16x64xf32, #tpu.memory_space<vmem>>, %arg8: memref<16x64xf32, #tpu.memory_space<vmem>>, %arg9: memref<16x64xf32, #tpu.memory_space<vmem>>, %arg10: memref<1x16xf32, #tpu.memory_space<vmem>>, %arg11: memref<1x16xf32, #tpu.memory_space<vmem>>, %arg12: memref<1x1xf32, #tpu.memory_space<smem>>, %arg13: memref<8x64xf32, #tpu.memory_space<vmem>>, %arg14: memref<8x64xf32, #tpu.memory_space<vmem>>, %arg15: memref<8x64xf32, #tpu.memory_space<vmem>>, %arg16: memref<1x8xf32, #tpu.memory_space<vmem>>, %arg17: memref<128x8xf32, #tpu.memory_space<vmem>>, %arg18: memref<1x1xf32, #tpu.memory_space<smem>>, %arg19: memref<16x128xf32, #tpu.memory_space<vmem>>) attributes {dimension_semantics = [#tpu.dimension_semantics<arbitrary>], iteration_bounds = array<i64: 4>, scalar_prefetch = 0 : i64, scratch_operands = 0 : i64, tpu.core_type = #tpu.core_type<tc>, window_params = [{transform_indices = @transform_0, window_bounds = array<i64: 2048, 128>}, {transform_indices = @transform_1, window_bounds = array<i64: 16, 128>}, {transform_indices = @transform_2, window_bounds = array<i64: 16, 128>}, {pipeline_mode = #tpu.pipeline_mode<synchronous>, transform_indices = @transform_3, window_bounds = array<i64: 256, 128>}, {pipeline_mode = #tpu.pipeline_mode<synchronous>, transform_indices = @transform_4, window_bounds = array<i64: 256, 1>}, {pipeline_mode = #tpu.pipeline_mode<synchronous>, transform_indices = @transform_5, window_bounds = array<i64: 16, 16>}, {pipeline_mode = #tpu.pipeline_mode<synchronous>, transform_indices = @transform_6, window_bounds = array<i64: 16, 64>}, {pipeline_mode = #tpu.pipeline_mode<synchronous>, transform_indices = @transform_7, window_bounds = array<i64: 16, 64>}, {pipeline_mode = #tpu.pipeline_mode<synchronous>, transform_indices = @transform_8, window_bounds = array<i64: 16, 64>}, {pipeline_mode = #tpu.pipeline_mode<synchronous>, transform_indices = @transform_9, window_bounds = array<i64: 1, 16>}, {pipeline_mode = #tpu.pipeline_mode<synchronous>, transform_indices = @transform_10, window_bounds = array<i64: 1, 16>}, {transform_indices = @transform_11, window_bounds = array<i64: 1, 1>}, {pipeline_mode = #tpu.pipeline_mode<synchronous>, transform_indices = @transform_12, window_bounds = array<i64: 8, 64>}, {pipeline_mode = #tpu.pipeline_mode<synchronous>, transform_indices = @transform_13, window_bounds = array<i64: 8, 64>}, {pipeline_mode = #tpu.pipeline_mode<synchronous>, transform_indices = @transform_14, window_bounds = array<i64: 8, 64>}, {pipeline_mode = #tpu.pipeline_mode<synchronous>, transform_indices = @transform_15, window_bounds = array<i64: 1, 8>}, {pipeline_mode = #tpu.pipeline_mode<synchronous>, transform_indices = @transform_16, window_bounds = array<i64: 128, 8>}, {transform_indices = @transform_17, window_bounds = array<i64: 1, 1>}, {transform_indices = @transform_18, window_bounds = array<i64: 16, 128>}]} {
    %iota3A = tpu.iota {dimensions = array<i32: 0>} : vector<2048x16xi32>
    %jit3A = arith.constant 128 : i32
    %div3A = vector.broadcast %jit3A : i32 to vector<2048x16xi32>
    %div3A_0 = arith.divsi %iota3A, %div3A : vector<2048x16xi32>
    %sign3A = arith.constant 0 : i32
    %sign3A_1 = vector.broadcast %sign3A : i32 to vector<2048x16xi32>
    %sign3A_2 = arith.cmpi sgt, %iota3A, %sign3A_1 : vector<2048x16xi32>
    %sign3A_3 = arith.extui %sign3A_2 : vector<2048x16xi1> to vector<2048x16xi32>
    %sign3A_4 = arith.constant 0 : i32
    %sign3A_5 = vector.broadcast %sign3A_4 : i32 to vector<2048x16xi32>
    %sign3A_6 = arith.cmpi slt, %iota3A, %sign3A_5 : vector<2048x16xi32>
    %sign3A_7 = arith.extui %sign3A_6 : vector<2048x16xi1> to vector<2048x16xi32>
    %sign3A_8 = arith.subi %sign3A_3, %sign3A_7 : vector<2048x16xi32>
    %sign3A_9 = arith.constant 0 : i32
    %sign3A_10 = arith.cmpi sgt, %jit3A, %sign3A_9 : i32
    %sign3A_11 = arith.extui %sign3A_10 : i1 to i32
    %sign3A_12 = arith.constant 0 : i32
    %sign3A_13 = arith.cmpi slt, %jit3A, %sign3A_12 : i32
    %sign3A_14 = arith.extui %sign3A_13 : i1 to i32
    %sign3A_15 = arith.subi %sign3A_11, %sign3A_14 : i32
    %ne3A = vector.broadcast %sign3A_15 : i32 to vector<2048x16xi32>
    %ne3A_16 = arith.cmpi ne, %sign3A_8, %ne3A : vector<2048x16xi32>
    %rem3A = vector.broadcast %jit3A : i32 to vector<2048x16xi32>
    %rem3A_17 = arith.remsi %iota3A, %rem3A : vector<2048x16xi32>
    %ne3A_18 = arith.constant 0 : i32
    %ne3A_19 = vector.broadcast %ne3A_18 : i32 to vector<2048x16xi32>
    %ne3A_20 = arith.cmpi ne, %rem3A_17, %ne3A_19 : vector<2048x16xi32>
    %and3A = arith.andi %ne3A_16, %ne3A_20 : vector<2048x16xi1>
    %sub3A = arith.constant 1 : i32
    %sub3A_21 = vector.broadcast %sub3A : i32 to vector<2048x16xi32>
    %sub3A_22 = arith.subi %div3A_0, %sub3A_21 : vector<2048x16xi32>
    %select_n3A = arith.select %and3A, %sub3A_22, %div3A_0 : vector<2048x16xi1>, vector<2048x16xi32>
    %iota3A_23 = tpu.iota {dimensions = array<i32: 1>} : vector<2048x16xi32>
    %eq3A = arith.cmpi eq, %select_n3A, %iota3A_23 : vector<2048x16xi32>
    %convert_element_type3A = arith.extui %eq3A : vector<2048x16xi1> to vector<2048x16xi32>
    %convert_element_type3A_24 = arith.sitofp %convert_element_type3A : vector<2048x16xi32> to vector<2048x16xf32>
    %iota3A_25 = tpu.iota {dimensions = array<i32: 0>} : vector<2048x128xi32>
    %iota3A_26 = tpu.iota {dimensions = array<i32: 1>} : vector<2048x128xi32>
    %jit3A_27 = arith.constant 128 : i32
    %eq3A_28 = arith.constant 0 : i32
    %eq3A_29 = arith.cmpi eq, %jit3A_27, %eq3A_28 : i32
    %jit3A_30 = arith.constant 1 : i32
    %select_n3A_31 = arith.select %eq3A_29, %jit3A_30, %jit3A_27 : i32
    %rem3A_32 = vector.broadcast %select_n3A_31 : i32 to vector<2048x128xi32>
    %rem3A_33 = arith.remsi %iota3A_25, %rem3A_32 : vector<2048x128xi32>
    %ne3A_34 = arith.constant 0 : i32
    %ne3A_35 = vector.broadcast %ne3A_34 : i32 to vector<2048x128xi32>
    %ne3A_36 = arith.cmpi ne, %rem3A_33, %ne3A_35 : vector<2048x128xi32>
    %lt3A = arith.constant 0 : i32
    %lt3A_37 = vector.broadcast %lt3A : i32 to vector<2048x128xi32>
    %lt3A_38 = arith.cmpi slt, %rem3A_33, %lt3A_37 : vector<2048x128xi32>
    %lt3A_39 = arith.constant 0 : i32
    %lt3A_40 = arith.cmpi slt, %select_n3A_31, %lt3A_39 : i32
    %ne3A_41 = vector.broadcast %lt3A_40 : i1 to vector<2048x128xi1>
    %ne3A_42 = vector.broadcast %ne3A_41 : vector<2048x128xi1> to vector<2048x128xi1>
    %ne3A_43 = arith.xori %lt3A_38, %ne3A_42 : vector<2048x128xi1>
    %and3A_44 = arith.andi %ne3A_43, %ne3A_36 : vector<2048x128xi1>
    %add3A = vector.broadcast %select_n3A_31 : i32 to vector<2048x128xi32>
    %add3A_45 = arith.addi %rem3A_33, %add3A : vector<2048x128xi32>
    %select_n3A_46 = arith.select %and3A_44, %add3A_45, %rem3A_33 : vector<2048x128xi1>, vector<2048x128xi32>
    %eq3A_47 = arith.cmpi eq, %iota3A_26, %select_n3A_46 : vector<2048x128xi32>
    %convert_element_type3A_48 = arith.extui %eq3A_47 : vector<2048x128xi1> to vector<2048x128xi32>
    %convert_element_type3A_49 = arith.sitofp %convert_element_type3A_48 : vector<2048x128xi32> to vector<2048x128xf32>
    %get3A = arith.constant 0 : index
    %get3A_50 = arith.constant 0 : index
    %get3A_51 = vector.load %arg2[%get3A, %get3A_50] : memref<16x128xi32, #tpu.memory_space<vmem>>, vector<16x128xi32>
    %and3A_52 = arith.constant 1 : i32
    %and3A_53 = vector.broadcast %and3A_52 : i32 to vector<16x128xi32>
    %and3A_54 = arith.andi %get3A_51, %and3A_53 : vector<16x128xi32>
    %convert_element_type3A_55 = arith.sitofp %and3A_54 : vector<16x128xi32> to vector<16x128xf32>
    %dot_general3A = arith.constant dense<0.000000e+00> : vector<2048x128xf32>
    %dot_general3A_56 = tpu.matmul %convert_element_type3A_24, %convert_element_type3A_55, %dot_general3A {dimension_numbers = #tpu.dot_dimension_numbers<[1], [0], [0], [1], [0, 0, 1, 1], [], []>, transpose_lhs_hint = false} : vector<2048x16xf32>, vector<16x128xf32>, vector<2048x128xf32> -> vector<2048x128xf32>
    %mul3A = arith.mulf %dot_general3A_56, %convert_element_type3A_49 : vector<2048x128xf32>
    %reduce_sum3A = arith.constant dense<0.000000e+00> : vector<2048xf32>
    %reduce_sum3A_57 = vector.multi_reduction <add>, %mul3A, %reduce_sum3A [1] : vector<2048x128xf32> to vector<2048xf32>
    %broadcast_in_dim3A = vector.shape_cast %reduce_sum3A_57 : vector<2048xf32> to vector<2048x1xf32>
    %get3A_58 = arith.constant 0 : index
    %get3A_59 = arith.constant 0 : index
    %get3A_60 = vector.load %arg3[%get3A_58, %get3A_59] : memref<16x128xi32, #tpu.memory_space<vmem>>, vector<16x128xi32>
    %convert_element_type3A_61 = arith.sitofp %get3A_60 : vector<16x128xi32> to vector<16x128xf32>
    %dot_general3A_62 = arith.constant dense<0.000000e+00> : vector<2048x128xf32>
    %dot_general3A_63 = tpu.matmul %convert_element_type3A_24, %convert_element_type3A_61, %dot_general3A_62 {dimension_numbers = #tpu.dot_dimension_numbers<[1], [0], [0], [1], [0, 0, 1, 1], [], []>, transpose_lhs_hint = false} : vector<2048x16xf32>, vector<16x128xf32>, vector<2048x128xf32> -> vector<2048x128xf32>
    %mul3A_64 = arith.mulf %dot_general3A_63, %convert_element_type3A_49 : vector<2048x128xf32>
    %reduce_sum3A_65 = arith.constant dense<0.000000e+00> : vector<2048xf32>
    %reduce_sum3A_66 = vector.multi_reduction <add>, %mul3A_64, %reduce_sum3A_65 [1] : vector<2048x128xf32> to vector<2048xf32>
    %broadcast_in_dim3A_67 = vector.shape_cast %reduce_sum3A_66 : vector<2048xf32> to vector<2048x1xf32>
    %get3A_68 = arith.constant 0 : index
    %get3A_69 = arith.constant 0 : index
    %get3A_70 = vector.load %arg1[%get3A_68, %get3A_69] : memref<2048x128xf32, #tpu.memory_space<vmem>>, vector<2048x128xf32>
    %iota3A_71 = tpu.iota {dimensions = array<i32: 0>} : vector<128x64xi32>
    %iota3A_72 = tpu.iota {dimensions = array<i32: 1>} : vector<128x64xi32>
    %eq3A_73 = arith.cmpi eq, %iota3A_71, %iota3A_72 : vector<128x64xi32>
    %convert_element_type3A_74 = arith.extui %eq3A_73 : vector<128x64xi1> to vector<128x64xi32>
    %convert_element_type3A_75 = arith.sitofp %convert_element_type3A_74 : vector<128x64xi32> to vector<128x64xf32>
    %add3A_76 = arith.constant 64 : i32
    %add3A_77 = vector.broadcast %add3A_76 : i32 to vector<128x64xi32>
    %add3A_78 = arith.addi %iota3A_72, %add3A_77 : vector<128x64xi32>
    %eq3A_79 = arith.cmpi eq, %iota3A_71, %add3A_78 : vector<128x64xi32>
    %convert_element_type3A_80 = arith.extui %eq3A_79 : vector<128x64xi1> to vector<128x64xi32>
    %convert_element_type3A_81 = arith.sitofp %convert_element_type3A_80 : vector<128x64xi32> to vector<128x64xf32>
    %dot_general3A_82 = arith.constant dense<0.000000e+00> : vector<2048x64xf32>
    %dot_general3A_83 = tpu.matmul %get3A_70, %convert_element_type3A_75, %dot_general3A_82 {dimension_numbers = #tpu.dot_dimension_numbers<[1], [0], [0], [1], [0, 0, 1, 1], [], []>, transpose_lhs_hint = false} : vector<2048x128xf32>, vector<128x64xf32>, vector<2048x64xf32> -> vector<2048x64xf32>
    %dot_general3A_84 = arith.constant dense<0.000000e+00> : vector<2048x64xf32>
    %dot_general3A_85 = tpu.matmul %get3A_70, %convert_element_type3A_81, %dot_general3A_84 {dimension_numbers = #tpu.dot_dimension_numbers<[1], [0], [0], [1], [0, 0, 1, 1], [], []>, transpose_lhs_hint = false} : vector<2048x128xf32>, vector<128x64xf32>, vector<2048x64xf32> -> vector<2048x64xf32>
    %sub3A_86 = arith.constant 1.000000e+00 : f32
    %sub3A_87 = vector.broadcast %sub3A_86 : f32 to vector<2048x1xf32>
    %sub3A_88 = arith.subf %sub3A_87, %broadcast_in_dim3A : vector<2048x1xf32>
    %mul3A_89 = vector.broadcast %sub3A_88 : vector<2048x1xf32> to vector<2048x64xf32>
    %mul3A_90 = arith.mulf %dot_general3A_83, %mul3A_89 : vector<2048x64xf32>
    %mul3A_91 = vector.broadcast %broadcast_in_dim3A : vector<2048x1xf32> to vector<2048x64xf32>
    %mul3A_92 = arith.mulf %dot_general3A_85, %mul3A_91 : vector<2048x64xf32>
    %add3A_93 = arith.addf %mul3A_90, %mul3A_92 : vector<2048x64xf32>
    %iota3A_94 = tpu.iota {dimensions = array<i32: 1>} : vector<1x16xi32>
    %convert_element_type3A_95 = arith.sitofp %iota3A_94 : vector<1x16xi32> to vector<1x16xf32>
    %eq3A_96 = vector.broadcast %broadcast_in_dim3A_67 : vector<2048x1xf32> to vector<2048x16xf32>
    %eq3A_97 = vector.broadcast %convert_element_type3A_95 : vector<1x16xf32> to vector<2048x16xf32>
    %eq3A_98 = arith.cmpf oeq, %eq3A_96, %eq3A_97 : vector<2048x16xf32>
    %convert_element_type3A_99 = arith.extui %eq3A_98 : vector<2048x16xi1> to vector<2048x16xi32>
    %convert_element_type3A_100 = arith.sitofp %convert_element_type3A_99 : vector<2048x16xi32> to vector<2048x16xf32>
    %get3A_101 = arith.constant 0 : index
    %get3A_102 = arith.constant 0 : index
    %get3A_103 = vector.load %arg9[%get3A_101, %get3A_102] : memref<16x64xf32, #tpu.memory_space<vmem>>, vector<16x64xf32>
    %dot_general3A_104 = arith.constant dense<0.000000e+00> : vector<2048x16xf32>
    %dot_general3A_105 = tpu.matmul %add3A_93, %get3A_103, %dot_general3A_104 {dimension_numbers = #tpu.dot_dimension_numbers<[1], [1], [0], [0], [0, 0, 1, 0], [], []>, transpose_lhs_hint = false} : vector<2048x64xf32>, vector<16x64xf32>, vector<2048x16xf32> -> vector<2048x16xf32>
    %get3A_106 = arith.constant 0 : index
    %get3A_107 = arith.constant 0 : index
    %get3A_108 = vector.load %arg10[%get3A_106, %get3A_107] : memref<1x16xf32, #tpu.memory_space<vmem>>, vector<1x16xf32>
    %add3A_109 = vector.broadcast %get3A_108 : vector<1x16xf32> to vector<2048x16xf32>
    %add3A_110 = arith.addf %dot_general3A_105, %add3A_109 : vector<2048x16xf32>
    %get3A_111 = arith.constant 0 : index
    %get3A_112 = arith.constant 0 : index
    %get3A_113 = vector.load %arg4[%get3A_111, %get3A_112] : memref<256x128xf32, #tpu.memory_space<vmem>>, vector<256x128xf32>
    %iota3A_114 = tpu.iota {dimensions = array<i32: 0>} : vector<128x64xi32>
    %iota3A_115 = tpu.iota {dimensions = array<i32: 1>} : vector<128x64xi32>
    %eq3A_116 = arith.cmpi eq, %iota3A_114, %iota3A_115 : vector<128x64xi32>
    %convert_element_type3A_117 = arith.extui %eq3A_116 : vector<128x64xi1> to vector<128x64xi32>
    %convert_element_type3A_118 = arith.sitofp %convert_element_type3A_117 : vector<128x64xi32> to vector<128x64xf32>
    %add3A_119 = arith.constant 64 : i32
    %add3A_120 = vector.broadcast %add3A_119 : i32 to vector<128x64xi32>
    %add3A_121 = arith.addi %iota3A_115, %add3A_120 : vector<128x64xi32>
    %eq3A_122 = arith.cmpi eq, %iota3A_114, %add3A_121 : vector<128x64xi32>
    %convert_element_type3A_123 = arith.extui %eq3A_122 : vector<128x64xi1> to vector<128x64xi32>
    %convert_element_type3A_124 = arith.sitofp %convert_element_type3A_123 : vector<128x64xi32> to vector<128x64xf32>
    %dot_general3A_125 = arith.constant dense<0.000000e+00> : vector<256x64xf32>
    %dot_general3A_126 = tpu.matmul %get3A_113, %convert_element_type3A_118, %dot_general3A_125 {dimension_numbers = #tpu.dot_dimension_numbers<[1], [0], [0], [1], [0, 0, 1, 1], [], []>, transpose_lhs_hint = false} : vector<256x128xf32>, vector<128x64xf32>, vector<256x64xf32> -> vector<256x64xf32>
    %dot_general3A_127 = arith.constant dense<0.000000e+00> : vector<256x64xf32>
    %dot_general3A_128 = tpu.matmul %get3A_113, %convert_element_type3A_124, %dot_general3A_127 {dimension_numbers = #tpu.dot_dimension_numbers<[1], [0], [0], [1], [0, 0, 1, 1], [], []>, transpose_lhs_hint = false} : vector<256x128xf32>, vector<128x64xf32>, vector<256x64xf32> -> vector<256x64xf32>
    %get3A_129 = arith.constant 0 : index
    %get3A_130 = arith.constant 0 : index
    %get3A_131 = vector.load %arg5[%get3A_129, %get3A_130] : memref<256x1xf32, #tpu.memory_space<vmem>>, vector<256x1xf32>
    %sub3A_132 = arith.constant 1.000000e+00 : f32
    %sub3A_133 = vector.broadcast %sub3A_132 : f32 to vector<256x1xf32>
    %sub3A_134 = arith.subf %sub3A_133, %get3A_131 : vector<256x1xf32>
    %mul3A_135 = vector.broadcast %sub3A_134 : vector<256x1xf32> to vector<256x64xf32>
    %mul3A_136 = arith.mulf %dot_general3A_126, %mul3A_135 : vector<256x64xf32>
    %mul3A_137 = vector.broadcast %get3A_131 : vector<256x1xf32> to vector<256x64xf32>
    %mul3A_138 = arith.mulf %dot_general3A_128, %mul3A_137 : vector<256x64xf32>
    %add3A_139 = arith.addf %mul3A_136, %mul3A_138 : vector<256x64xf32>
    %slice3A = vector.extract_strided_slice %add3A_139 {offsets = [0, 0], sizes = [160, 64], strides = [1, 1]} : vector<256x64xf32> to vector<160x64xf32>
    %get3A_140 = arith.constant 0 : index
    %get3A_141 = arith.constant 0 : index
    %get3A_142 = vector.load %arg8[%get3A_140, %get3A_141] : memref<16x64xf32, #tpu.memory_space<vmem>>, vector<16x64xf32>
    %dot_general3A_143 = arith.constant dense<0.000000e+00> : vector<160x16xf32>
    %dot_general3A_144 = tpu.matmul %slice3A, %get3A_142, %dot_general3A_143 {dimension_numbers = #tpu.dot_dimension_numbers<[1], [1], [0], [0], [0, 0, 1, 0], [], []>, transpose_lhs_hint = false} : vector<160x64xf32>, vector<16x64xf32>, vector<160x16xf32> -> vector<160x16xf32>
    %iota3A_145 = tpu.iota {dimensions = array<i32: 1>} : vector<16x160xi32>
    %iota3A_146 = tpu.iota {dimensions = array<i32: 0>} : vector<16x160xi32>
    %jit3A_147 = arith.constant 16 : i32
    %eq3A_148 = arith.constant 0 : i32
    %eq3A_149 = arith.cmpi eq, %jit3A_147, %eq3A_148 : i32
    %jit3A_150 = arith.constant 1 : i32
    %select_n3A_151 = arith.select %eq3A_149, %jit3A_150, %jit3A_147 : i32
    %rem3A_152 = vector.broadcast %select_n3A_151 : i32 to vector<16x160xi32>
    %rem3A_153 = arith.remsi %iota3A_145, %rem3A_152 : vector<16x160xi32>
    %ne3A_154 = arith.constant 0 : i32
    %ne3A_155 = vector.broadcast %ne3A_154 : i32 to vector<16x160xi32>
    %ne3A_156 = arith.cmpi ne, %rem3A_153, %ne3A_155 : vector<16x160xi32>
    %lt3A_157 = arith.constant 0 : i32
    %lt3A_158 = vector.broadcast %lt3A_157 : i32 to vector<16x160xi32>
    %lt3A_159 = arith.cmpi slt, %rem3A_153, %lt3A_158 : vector<16x160xi32>
    %lt3A_160 = arith.constant 0 : i32
    %lt3A_161 = arith.cmpi slt, %select_n3A_151, %lt3A_160 : i32
    %ne3A_162 = vector.broadcast %lt3A_161 : i1 to vector<16x160xi1>
    %ne3A_163 = vector.broadcast %ne3A_162 : vector<16x160xi1> to vector<16x160xi1>
    %ne3A_164 = arith.xori %lt3A_159, %ne3A_163 : vector<16x160xi1>
    %and3A_165 = arith.andi %ne3A_164, %ne3A_156 : vector<16x160xi1>
    %add3A_166 = vector.broadcast %select_n3A_151 : i32 to vector<16x160xi32>
    %add3A_167 = arith.addi %rem3A_153, %add3A_166 : vector<16x160xi32>
    %select_n3A_168 = arith.select %and3A_165, %add3A_167, %rem3A_153 : vector<16x160xi1>, vector<16x160xi32>
    %eq3A_169 = arith.cmpi eq, %select_n3A_168, %iota3A_146 : vector<16x160xi32>
    %convert_element_type3A_170 = arith.extui %eq3A_169 : vector<16x160xi1> to vector<16x160xi32>
    %convert_element_type3A_171 = arith.sitofp %convert_element_type3A_170 : vector<16x160xi32> to vector<16x160xf32>
    %jit3A_172 = arith.constant 16 : i32
    %div3A_173 = vector.broadcast %jit3A_172 : i32 to vector<16x160xi32>
    %div3A_174 = arith.divsi %iota3A_145, %div3A_173 : vector<16x160xi32>
    %sign3A_175 = arith.constant 0 : i32
    %sign3A_176 = vector.broadcast %sign3A_175 : i32 to vector<16x160xi32>
    %sign3A_177 = arith.cmpi sgt, %iota3A_145, %sign3A_176 : vector<16x160xi32>
    %sign3A_178 = arith.extui %sign3A_177 : vector<16x160xi1> to vector<16x160xi32>
    %sign3A_179 = arith.constant 0 : i32
    %sign3A_180 = vector.broadcast %sign3A_179 : i32 to vector<16x160xi32>
    %sign3A_181 = arith.cmpi slt, %iota3A_145, %sign3A_180 : vector<16x160xi32>
    %sign3A_182 = arith.extui %sign3A_181 : vector<16x160xi1> to vector<16x160xi32>
    %sign3A_183 = arith.subi %sign3A_178, %sign3A_182 : vector<16x160xi32>
    %sign3A_184 = arith.constant 0 : i32
    %sign3A_185 = arith.cmpi sgt, %jit3A_172, %sign3A_184 : i32
    %sign3A_186 = arith.extui %sign3A_185 : i1 to i32
    %sign3A_187 = arith.constant 0 : i32
    %sign3A_188 = arith.cmpi slt, %jit3A_172, %sign3A_187 : i32
    %sign3A_189 = arith.extui %sign3A_188 : i1 to i32
    %sign3A_190 = arith.subi %sign3A_186, %sign3A_189 : i32
    %ne3A_191 = vector.broadcast %sign3A_190 : i32 to vector<16x160xi32>
    %ne3A_192 = arith.cmpi ne, %sign3A_183, %ne3A_191 : vector<16x160xi32>
    %rem3A_193 = vector.broadcast %jit3A_172 : i32 to vector<16x160xi32>
    %rem3A_194 = arith.remsi %iota3A_145, %rem3A_193 : vector<16x160xi32>
    %ne3A_195 = arith.constant 0 : i32
    %ne3A_196 = vector.broadcast %ne3A_195 : i32 to vector<16x160xi32>
    %ne3A_197 = arith.cmpi ne, %rem3A_194, %ne3A_196 : vector<16x160xi32>
    %and3A_198 = arith.andi %ne3A_192, %ne3A_197 : vector<16x160xi1>
    %sub3A_199 = arith.constant 1 : i32
    %sub3A_200 = vector.broadcast %sub3A_199 : i32 to vector<16x160xi32>
    %sub3A_201 = arith.subi %div3A_174, %sub3A_200 : vector<16x160xi32>
    %select_n3A_202 = arith.select %and3A_198, %sub3A_201, %div3A_174 : vector<16x160xi1>, vector<16x160xi32>
    %eq3A_203 = arith.cmpi eq, %select_n3A_202, %iota3A_146 : vector<16x160xi32>
    %convert_element_type3A_204 = arith.extui %eq3A_203 : vector<16x160xi1> to vector<16x160xi32>
    %convert_element_type3A_205 = arith.sitofp %convert_element_type3A_204 : vector<16x160xi32> to vector<16x160xf32>
    %dot_general3A_206 = arith.constant dense<0.000000e+00> : vector<2048x160xf32>
    %dot_general3A_207 = tpu.matmul %convert_element_type3A_100, %convert_element_type3A_171, %dot_general3A_206 {dimension_numbers = #tpu.dot_dimension_numbers<[1], [0], [0], [1], [0, 0, 1, 1], [], []>, transpose_lhs_hint = false} : vector<2048x16xf32>, vector<16x160xf32>, vector<2048x160xf32> -> vector<2048x160xf32>
    %dot_general3A_208 = arith.constant dense<0.000000e+00> : vector<2048x160xf32>
    %dot_general3A_209 = tpu.matmul %add3A_110, %convert_element_type3A_171, %dot_general3A_208 {dimension_numbers = #tpu.dot_dimension_numbers<[1], [0], [0], [1], [0, 0, 1, 1], [], []>, transpose_lhs_hint = false} : vector<2048x16xf32>, vector<16x160xf32>, vector<2048x160xf32> -> vector<2048x160xf32>
    %dot_general3A_210 = arith.constant dense<0.000000e+00> : vector<160x160xf32>
    %dot_general3A_211 = tpu.matmul %dot_general3A_144, %convert_element_type3A_171, %dot_general3A_210 {dimension_numbers = #tpu.dot_dimension_numbers<[1], [0], [0], [1], [0, 0, 1, 1], [], []>, transpose_lhs_hint = false} : vector<160x16xf32>, vector<16x160xf32>, vector<160x160xf32> -> vector<160x160xf32>
    %iota3A_212 = tpu.iota {dimensions = array<i32: 0>} : vector<160x160xi32>
    %iota3A_213 = tpu.iota {dimensions = array<i32: 1>} : vector<160x160xi32>
    %jit3A_214 = arith.constant 16 : i32
    %div3A_215 = vector.broadcast %jit3A_214 : i32 to vector<160x160xi32>
    %div3A_216 = arith.divsi %iota3A_212, %div3A_215 : vector<160x160xi32>
    %sign3A_217 = arith.constant 0 : i32
    %sign3A_218 = vector.broadcast %sign3A_217 : i32 to vector<160x160xi32>
    %sign3A_219 = arith.cmpi sgt, %iota3A_212, %sign3A_218 : vector<160x160xi32>
    %sign3A_220 = arith.extui %sign3A_219 : vector<160x160xi1> to vector<160x160xi32>
    %sign3A_221 = arith.constant 0 : i32
    %sign3A_222 = vector.broadcast %sign3A_221 : i32 to vector<160x160xi32>
    %sign3A_223 = arith.cmpi slt, %iota3A_212, %sign3A_222 : vector<160x160xi32>
    %sign3A_224 = arith.extui %sign3A_223 : vector<160x160xi1> to vector<160x160xi32>
    %sign3A_225 = arith.subi %sign3A_220, %sign3A_224 : vector<160x160xi32>
    %sign3A_226 = arith.constant 0 : i32
    %sign3A_227 = arith.cmpi sgt, %jit3A_214, %sign3A_226 : i32
    %sign3A_228 = arith.extui %sign3A_227 : i1 to i32
    %sign3A_229 = arith.constant 0 : i32
    %sign3A_230 = arith.cmpi slt, %jit3A_214, %sign3A_229 : i32
    %sign3A_231 = arith.extui %sign3A_230 : i1 to i32
    %sign3A_232 = arith.subi %sign3A_228, %sign3A_231 : i32
    %ne3A_233 = vector.broadcast %sign3A_232 : i32 to vector<160x160xi32>
    %ne3A_234 = arith.cmpi ne, %sign3A_225, %ne3A_233 : vector<160x160xi32>
    %rem3A_235 = vector.broadcast %jit3A_214 : i32 to vector<160x160xi32>
    %rem3A_236 = arith.remsi %iota3A_212, %rem3A_235 : vector<160x160xi32>
    %ne3A_237 = arith.constant 0 : i32
    %ne3A_238 = vector.broadcast %ne3A_237 : i32 to vector<160x160xi32>
    %ne3A_239 = arith.cmpi ne, %rem3A_236, %ne3A_238 : vector<160x160xi32>
    %and3A_240 = arith.andi %ne3A_234, %ne3A_239 : vector<160x160xi1>
    %sub3A_241 = arith.constant 1 : i32
    %sub3A_242 = vector.broadcast %sub3A_241 : i32 to vector<160x160xi32>
    %sub3A_243 = arith.subi %div3A_216, %sub3A_242 : vector<160x160xi32>
    %select_n3A_244 = arith.select %and3A_240, %sub3A_243, %div3A_216 : vector<160x160xi1>, vector<160x160xi32>
    %jit3A_245 = arith.constant 16 : i32
    %div3A_246 = vector.broadcast %jit3A_245 : i32 to vector<160x160xi32>
    %div3A_247 = arith.divsi %iota3A_213, %div3A_246 : vector<160x160xi32>
    %sign3A_248 = arith.constant 0 : i32
    %sign3A_249 = vector.broadcast %sign3A_248 : i32 to vector<160x160xi32>
    %sign3A_250 = arith.cmpi sgt, %iota3A_213, %sign3A_249 : vector<160x160xi32>
    %sign3A_251 = arith.extui %sign3A_250 : vector<160x160xi1> to vector<160x160xi32>
    %sign3A_252 = arith.constant 0 : i32
    %sign3A_253 = vector.broadcast %sign3A_252 : i32 to vector<160x160xi32>
    %sign3A_254 = arith.cmpi slt, %iota3A_213, %sign3A_253 : vector<160x160xi32>
    %sign3A_255 = arith.extui %sign3A_254 : vector<160x160xi1> to vector<160x160xi32>
    %sign3A_256 = arith.subi %sign3A_251, %sign3A_255 : vector<160x160xi32>
    %sign3A_257 = arith.constant 0 : i32
    %sign3A_258 = arith.cmpi sgt, %jit3A_245, %sign3A_257 : i32
    %sign3A_259 = arith.extui %sign3A_258 : i1 to i32
    %sign3A_260 = arith.constant 0 : i32
    %sign3A_261 = arith.cmpi slt, %jit3A_245, %sign3A_260 : i32
    %sign3A_262 = arith.extui %sign3A_261 : i1 to i32
    %sign3A_263 = arith.subi %sign3A_259, %sign3A_262 : i32
    %ne3A_264 = vector.broadcast %sign3A_263 : i32 to vector<160x160xi32>
    %ne3A_265 = arith.cmpi ne, %sign3A_256, %ne3A_264 : vector<160x160xi32>
    %rem3A_266 = vector.broadcast %jit3A_245 : i32 to vector<160x160xi32>
    %rem3A_267 = arith.remsi %iota3A_213, %rem3A_266 : vector<160x160xi32>
    %ne3A_268 = arith.constant 0 : i32
    %ne3A_269 = vector.broadcast %ne3A_268 : i32 to vector<160x160xi32>
    %ne3A_270 = arith.cmpi ne, %rem3A_267, %ne3A_269 : vector<160x160xi32>
    %and3A_271 = arith.andi %ne3A_265, %ne3A_270 : vector<160x160xi1>
    %sub3A_272 = arith.constant 1 : i32
    %sub3A_273 = vector.broadcast %sub3A_272 : i32 to vector<160x160xi32>
    %sub3A_274 = arith.subi %div3A_247, %sub3A_273 : vector<160x160xi32>
    %select_n3A_275 = arith.select %and3A_271, %sub3A_274, %div3A_247 : vector<160x160xi1>, vector<160x160xi32>
    %eq3A_276 = arith.cmpi eq, %select_n3A_244, %select_n3A_275 : vector<160x160xi32>
    %convert_element_type3A_277 = arith.extui %eq3A_276 : vector<160x160xi1> to vector<160x160xi32>
    %convert_element_type3A_278 = arith.sitofp %convert_element_type3A_277 : vector<160x160xi32> to vector<160x160xf32>
    %mul3A_279 = arith.mulf %dot_general3A_211, %convert_element_type3A_278 : vector<160x160xf32>
    %dot_general3A_280 = arith.constant dense<0.000000e+00> : vector<2048x160xf32>
    %dot_general3A_281 = tpu.matmul %dot_general3A_207, %mul3A_279, %dot_general3A_280 {dimension_numbers = #tpu.dot_dimension_numbers<[1], [0], [0], [1], [0, 0, 1, 1], [], []>, transpose_lhs_hint = false} : vector<2048x160xf32>, vector<160x160xf32>, vector<2048x160xf32> -> vector<2048x160xf32>
    %add3A_282 = arith.addf %dot_general3A_281, %dot_general3A_209 : vector<2048x160xf32>
    %max3A = arith.constant 0.000000e+00 : f32
    %max3A_283 = vector.broadcast %max3A : f32 to vector<2048x160xf32>
    %max3A_284 = arith.maximumf %add3A_282, %max3A_283 : vector<2048x160xf32>
    %get3A_285 = arith.constant 0 : index
    %get3A_286 = arith.constant 0 : index
    %get3A_287 = vector.load %arg11[%get3A_285, %get3A_286] : memref<1x16xf32, #tpu.memory_space<vmem>>, vector<1x16xf32>
    %dot_general3A_288 = arith.constant dense<0.000000e+00> : vector<1x160xf32>
    %dot_general3A_289 = tpu.matmul %get3A_287, %convert_element_type3A_171, %dot_general3A_288 {dimension_numbers = #tpu.dot_dimension_numbers<[1], [0], [0], [1], [0, 0, 1, 1], [], []>, transpose_lhs_hint = false} : vector<1x16xf32>, vector<16x160xf32>, vector<1x160xf32> -> vector<1x160xf32>
    %mul3A_290 = vector.broadcast %dot_general3A_289 : vector<1x160xf32> to vector<16x160xf32>
    %mul3A_291 = arith.mulf %convert_element_type3A_205, %mul3A_290 : vector<16x160xf32>
    %dot_general3A_292 = arith.constant dense<0.000000e+00> : vector<2048x16xf32>
    %dot_general3A_293 = tpu.matmul %max3A_284, %mul3A_291, %dot_general3A_292 {dimension_numbers = #tpu.dot_dimension_numbers<[1], [1], [0], [0], [0, 0, 1, 0], [], []>, transpose_lhs_hint = false} : vector<2048x160xf32>, vector<16x160xf32>, vector<2048x16xf32> -> vector<2048x16xf32>
    %get3A_294 = arith.constant 0 : index
    %get3A_295 = arith.constant 0 : index
    %get3A_296 = memref.load %arg12[%get3A_294, %get3A_295] : memref<1x1xf32, #tpu.memory_space<smem>>
    %add3A_297 = vector.broadcast %get3A_296 : f32 to vector<2048x16xf32>
    %add3A_298 = arith.addf %dot_general3A_293, %add3A_297 : vector<2048x16xf32>
    %jit3A_299 = arith.constant -5.000000e+01 : f32
    %jit3A_300 = arith.constant 5.000000e+01 : f32
    %max3A_301 = vector.broadcast %jit3A_299 : f32 to vector<2048x16xf32>
    %max3A_302 = arith.maximumf %max3A_301, %add3A_298 : vector<2048x16xf32>
    %min3A = vector.broadcast %jit3A_300 : f32 to vector<2048x16xf32>
    %min3A_303 = arith.minimumf %min3A, %max3A_302 : vector<2048x16xf32>
    %get3A_304 = arith.constant 0 : index
    %get3A_305 = arith.constant 0 : index
    %get3A_306 = vector.load %arg6[%get3A_304, %get3A_305] : memref<16x16xf32, #tpu.memory_space<vmem>>, vector<16x16xf32>
    %dot_general3A_307 = arith.constant dense<0.000000e+00> : vector<2048x16xf32>
    %dot_general3A_308 = tpu.matmul %convert_element_type3A_100, %get3A_306, %dot_general3A_307 {dimension_numbers = #tpu.dot_dimension_numbers<[1], [0], [0], [1], [0, 0, 1, 1], [], []>, transpose_lhs_hint = false} : vector<2048x16xf32>, vector<16x16xf32>, vector<2048x16xf32> -> vector<2048x16xf32>
    %exp3A = math.exp %min3A_303 : vector<2048x16xf32>
    %mul3A_309 = arith.mulf %exp3A, %dot_general3A_308 : vector<2048x16xf32>
    %reduce_sum3A_310 = arith.constant dense<0.000000e+00> : vector<2048xf32>
    %reduce_sum3A_311 = vector.multi_reduction <add>, %mul3A_309, %reduce_sum3A_310 [1] : vector<2048x16xf32> to vector<2048xf32>
    %broadcast_in_dim3A_312 = vector.shape_cast %reduce_sum3A_311 : vector<2048xf32> to vector<2048x1xf32>
    %div3A_313 = vector.broadcast %broadcast_in_dim3A_312 : vector<2048x1xf32> to vector<2048x16xf32>
    %div3A_314 = arith.divf %mul3A_309, %div3A_313 : vector<2048x16xf32>
    %dot_general3A_315 = arith.constant dense<0.000000e+00> : vector<2048x160xf32>
    %dot_general3A_316 = tpu.matmul %div3A_314, %convert_element_type3A_205, %dot_general3A_315 {dimension_numbers = #tpu.dot_dimension_numbers<[1], [0], [0], [1], [0, 0, 1, 1], [], []>, transpose_lhs_hint = false} : vector<2048x16xf32>, vector<16x160xf32>, vector<2048x160xf32> -> vector<2048x160xf32>
    %mul3A_317 = arith.mulf %dot_general3A_316, %dot_general3A_207 : vector<2048x160xf32>
    %dot_general3A_318 = arith.constant dense<0.000000e+00> : vector<2048x64xf32>
    %dot_general3A_319 = tpu.matmul %mul3A_317, %slice3A, %dot_general3A_318 {dimension_numbers = #tpu.dot_dimension_numbers<[1], [0], [0], [1], [0, 0, 1, 1], [], []>, transpose_lhs_hint = false} : vector<2048x160xf32>, vector<160x64xf32>, vector<2048x64xf32> -> vector<2048x64xf32>
    %get3A_320 = arith.constant 0 : index
    %get3A_321 = arith.constant 0 : index
    %get3A_322 = vector.load %arg7[%get3A_320, %get3A_321] : memref<16x64xf32, #tpu.memory_space<vmem>>, vector<16x64xf32>
    %dot_general3A_323 = arith.constant dense<0.000000e+00> : vector<2048x64xf32>
    %dot_general3A_324 = tpu.matmul %convert_element_type3A_100, %get3A_322, %dot_general3A_323 {dimension_numbers = #tpu.dot_dimension_numbers<[1], [0], [0], [1], [0, 0, 1, 1], [], []>, transpose_lhs_hint = false} : vector<2048x16xf32>, vector<16x64xf32>, vector<2048x64xf32> -> vector<2048x64xf32>
    %mul3A_325 = arith.constant 5.000000e-01 : f32
    %mul3A_326 = vector.broadcast %mul3A_325 : f32 to vector<2048x64xf32>
    %mul3A_327 = arith.mulf %mul3A_326, %dot_general3A_319 : vector<2048x64xf32>
    %add3A_328 = arith.addf %mul3A_327, %dot_general3A_324 : vector<2048x64xf32>
    %mul3A_329 = arith.mulf %add3A_328, %add3A_93 : vector<2048x64xf32>
    %get3A_330 = arith.constant 0 : index
    %get3A_331 = arith.constant 0 : index
    %get3A_332 = vector.load %arg13[%get3A_330, %get3A_331] : memref<8x64xf32, #tpu.memory_space<vmem>>, vector<8x64xf32>
    %dot_general3A_333 = arith.constant dense<0.000000e+00> : vector<2048x8xf32>
    %dot_general3A_334 = tpu.matmul %mul3A_329, %get3A_332, %dot_general3A_333 {dimension_numbers = #tpu.dot_dimension_numbers<[1], [1], [0], [0], [0, 0, 1, 0], [], []>, transpose_lhs_hint = false} : vector<2048x64xf32>, vector<8x64xf32>, vector<2048x8xf32> -> vector<2048x8xf32>
    %get3A_335 = arith.constant 0 : index
    %get3A_336 = arith.constant 0 : index
    %get3A_337 = vector.load %arg14[%get3A_335, %get3A_336] : memref<8x64xf32, #tpu.memory_space<vmem>>, vector<8x64xf32>
    %dot_general3A_338 = arith.constant dense<0.000000e+00> : vector<2048x8xf32>
    %dot_general3A_339 = tpu.matmul %add3A_328, %get3A_337, %dot_general3A_338 {dimension_numbers = #tpu.dot_dimension_numbers<[1], [1], [0], [0], [0, 0, 1, 0], [], []>, transpose_lhs_hint = false} : vector<2048x64xf32>, vector<8x64xf32>, vector<2048x8xf32> -> vector<2048x8xf32>
    %add3A_340 = arith.addf %dot_general3A_334, %dot_general3A_339 : vector<2048x8xf32>
    %get3A_341 = arith.constant 0 : index
    %get3A_342 = arith.constant 0 : index
    %get3A_343 = vector.load %arg15[%get3A_341, %get3A_342] : memref<8x64xf32, #tpu.memory_space<vmem>>, vector<8x64xf32>
    %dot_general3A_344 = arith.constant dense<0.000000e+00> : vector<2048x8xf32>
    %dot_general3A_345 = tpu.matmul %add3A_93, %get3A_343, %dot_general3A_344 {dimension_numbers = #tpu.dot_dimension_numbers<[1], [1], [0], [0], [0, 0, 1, 0], [], []>, transpose_lhs_hint = false} : vector<2048x64xf32>, vector<8x64xf32>, vector<2048x8xf32> -> vector<2048x8xf32>
    %add3A_346 = arith.addf %add3A_340, %dot_general3A_345 : vector<2048x8xf32>
    %get3A_347 = arith.constant 0 : index
    %get3A_348 = arith.constant 0 : index
    %get3A_349 = vector.load %arg16[%get3A_347, %get3A_348] : memref<1x8xf32, #tpu.memory_space<vmem>>, vector<1x8xf32>
    %add3A_350 = vector.broadcast %get3A_349 : vector<1x8xf32> to vector<2048x8xf32>
    %add3A_351 = arith.addf %add3A_346, %add3A_350 : vector<2048x8xf32>
    %max3A_352 = arith.constant 0.000000e+00 : f32
    %max3A_353 = vector.broadcast %max3A_352 : f32 to vector<2048x8xf32>
    %max3A_354 = arith.maximumf %add3A_351, %max3A_353 : vector<2048x8xf32>
    %get3A_355 = arith.constant 0 : index
    %get3A_356 = arith.constant 0 : index
    %get3A_357 = vector.load %arg17[%get3A_355, %get3A_356] : memref<128x8xf32, #tpu.memory_space<vmem>>, vector<128x8xf32>
    %dot_general3A_358 = arith.constant dense<0.000000e+00> : vector<2048x128xf32>
    %dot_general3A_359 = tpu.matmul %max3A_354, %get3A_357, %dot_general3A_358 {dimension_numbers = #tpu.dot_dimension_numbers<[1], [1], [0], [0], [0, 0, 1, 0], [], []>, transpose_lhs_hint = false} : vector<2048x8xf32>, vector<128x8xf32>, vector<2048x128xf32> -> vector<2048x128xf32>
    %get3A_360 = arith.constant 0 : index
    %get3A_361 = arith.constant 0 : index
    %get3A_362 = memref.load %arg18[%get3A_360, %get3A_361] : memref<1x1xf32, #tpu.memory_space<smem>>
    %add3A_363 = vector.broadcast %get3A_362 : f32 to vector<2048x128xf32>
    %add3A_364 = arith.addf %dot_general3A_359, %add3A_363 : vector<2048x128xf32>
    %mul3A_365 = arith.mulf %add3A_364, %convert_element_type3A_49 : vector<2048x128xf32>
    %dot_general3A_366 = arith.constant dense<0.000000e+00> : vector<16x128xf32>
    %dot_general3A_367 = tpu.matmul %convert_element_type3A_24, %mul3A_365, %dot_general3A_366 {dimension_numbers = #tpu.dot_dimension_numbers<[0], [0], [1], [1], [0, 1, 1, 1], [], []>, transpose_lhs_hint = false} : vector<2048x16xf32>, vector<2048x128xf32>, vector<16x128xf32> -> vector<16x128xf32>
    %swap3A = arith.constant 0 : index
    %swap3A_368 = arith.constant 0 : index
    %swap3A_369 = vector.load %arg19[%swap3A, %swap3A_368] : memref<16x128xf32, #tpu.memory_space<vmem>>, vector<16x128xf32>
    tpu.vector_store %arg19[%swap3A, %swap3A_368], %dot_general3A_367 {strides = array<i32>} : memref<16x128xf32, #tpu.memory_space<vmem>>, vector<16x128xf32>,
    return
  }
  func.func @transform_0(%arg0: i32) -> (i32, i32) {
    %c0_i32 = arith.constant 0 : i32
    %c0_i32_0 = arith.constant 0 : i32
    return %arg0, %c0_i32 : i32, i32
  }
  func.func @transform_1(%arg0: i32) -> (i32, i32) {
    %c0_i32 = arith.constant 0 : i32
    %c0_i32_0 = arith.constant 0 : i32
    return %arg0, %c0_i32 : i32, i32
  }
  func.func @transform_2(%arg0: i32) -> (i32, i32) {
    %c0_i32 = arith.constant 0 : i32
    %c0_i32_0 = arith.constant 0 : i32
    return %arg0, %c0_i32 : i32, i32
  }
  func.func @transform_3(%arg0: i32) -> (i32, i32) {
    %c0_i32 = arith.constant 0 : i32
    %c0_i32_0 = arith.constant 0 : i32
    %c0_i32_1 = arith.constant 0 : i32
    return %c0_i32, %c0_i32_0 : i32, i32
  }
  func.func @transform_4(%arg0: i32) -> (i32, i32) {
    %c0_i32 = arith.constant 0 : i32
    %c0_i32_0 = arith.constant 0 : i32
    %c0_i32_1 = arith.constant 0 : i32
    return %c0_i32, %c0_i32_0 : i32, i32
  }
  func.func @transform_5(%arg0: i32) -> (i32, i32) {
    %c0_i32 = arith.constant 0 : i32
    %c0_i32_0 = arith.constant 0 : i32
    %c0_i32_1 = arith.constant 0 : i32
    return %c0_i32, %c0_i32_0 : i32, i32
  }
  func.func @transform_6(%arg0: i32) -> (i32, i32) {
    %c0_i32 = arith.constant 0 : i32
    %c0_i32_0 = arith.constant 0 : i32
    %c0_i32_1 = arith.constant 0 : i32
    return %c0_i32, %c0_i32_0 : i32, i32
  }
  func.func @transform_7(%arg0: i32) -> (i32, i32) {
    %c0_i32 = arith.constant 0 : i32
    %c0_i32_0 = arith.constant 0 : i32
    %c0_i32_1 = arith.constant 0 : i32
    return %c0_i32, %c0_i32_0 : i32, i32
  }
  func.func @transform_8(%arg0: i32) -> (i32, i32) {
    %c0_i32 = arith.constant 0 : i32
    %c0_i32_0 = arith.constant 0 : i32
    %c0_i32_1 = arith.constant 0 : i32
    return %c0_i32, %c0_i32_0 : i32, i32
  }
  func.func @transform_9(%arg0: i32) -> (i32, i32) {
    %c0_i32 = arith.constant 0 : i32
    %c0_i32_0 = arith.constant 0 : i32
    %c0_i32_1 = arith.constant 0 : i32
    return %c0_i32, %c0_i32_0 : i32, i32
  }
  func.func @transform_10(%arg0: i32) -> (i32, i32) {
    %c0_i32 = arith.constant 0 : i32
    %c0_i32_0 = arith.constant 0 : i32
    %c0_i32_1 = arith.constant 0 : i32
    return %c0_i32, %c0_i32_0 : i32, i32
  }
  func.func @transform_11(%arg0: i32) -> (i32, i32) {
    %c0_i32 = arith.constant 0 : i32
    %c0_i32_0 = arith.constant 0 : i32
    %c0_i32_1 = arith.constant 0 : i32
    return %c0_i32, %c0_i32_0 : i32, i32
  }
  func.func @transform_12(%arg0: i32) -> (i32, i32) {
    %c0_i32 = arith.constant 0 : i32
    %c0_i32_0 = arith.constant 0 : i32
    %c0_i32_1 = arith.constant 0 : i32
    return %c0_i32, %c0_i32_0 : i32, i32
  }
  func.func @transform_13(%arg0: i32) -> (i32, i32) {
    %c0_i32 = arith.constant 0 : i32
    %c0_i32_0 = arith.constant 0 : i32
    %c0_i32_1 = arith.constant 0 : i32
    return %c0_i32, %c0_i32_0 : i32, i32
  }
  func.func @transform_14(%arg0: i32) -> (i32, i32) {
    %c0_i32 = arith.constant 0 : i32
    %c0_i32_0 = arith.constant 0 : i32
    %c0_i32_1 = arith.constant 0 : i32
    return %c0_i32, %c0_i32_0 : i32, i32
  }
  func.func @transform_15(%arg0: i32) -> (i32, i32) {
    %c0_i32 = arith.constant 0 : i32
    %c0_i32_0 = arith.constant 0 : i32
    %c0_i32_1 = arith.constant 0 : i32
    return %c0_i32, %c0_i32_0 : i32, i32
  }
  func.func @transform_16(%arg0: i32) -> (i32, i32) {
    %c0_i32 = arith.constant 0 : i32
    %c0_i32_0 = arith.constant 0 : i32
    %c0_i32_1 = arith.constant 0 : i32
    return %c0_i32, %c0_i32_0 : i32, i32
  }
  func.func @transform_17(%arg0: i32) -> (i32, i32) {
    %c0_i32 = arith.constant 0 : i32
    %c0_i32_0 = arith.constant 0 : i32
    %c0_i32_1 = arith.constant 0 : i32
    return %c0_i32, %c0_i32_0 : i32, i32
  }
  func.func @transform_18(%arg0: i32) -> (i32, i32) {
    %c0_i32 = arith.constant 0 : i32
    %c0_i32_0 = arith.constant 0 : i32
    return %arg0, %c0_i32 : i32, i32
  }
}

</mosaic_0001>

<sc_bundles>
// kernel: kernel.6.cloned.1.call-start
scs
__scs_entry_jumppad:
0x0: {  	(pc) =	sbr.rel $0x88, $3  }
0x1: {  	(tag) =	ssettag $0x0;
	lr =	simm.s32 $0x1  }
0x2: {  	[smem:$0x3F92] =	sst lr;
	_ =	strace $0xD0000000  }
0x3: {  	_ = 	snop  }
0x4: {  	_ = 	snop  }
0x5: {  	_ = 	snop  }
0x6: {  	_ = 	snop  }
0x7: {  	_ = 	snop  }
__scs_overlays_trampoline_lowered:
0x8: {  	[smem:$0x3FA1] =	sst s0  }
0x9: {  	[smem:$0x3FA2] =	sst s1  }
0xa: {  	[smem:$0x3FA3] =	sst s2  }
0xb: {  	[smem:$0x3FA4] =	sst s3  }
0xc: {  	[smem:$0x3FA5] =	sst s4  }
0xd: {  	[smem:$0x3FA6] =	sst s5  }
0xe: {  	[smem:$0x3FA7] =	sst s6  }
0xf: {  	[smem:$0x3FA8] =	sst s7  }
0x10: {  	[smem:$0x3FA9] =	sst s8  }
0x11: {  	[smem:$0x3FAA] =	sst s9;
	s0 =	simm.s32 @!p0 $0x0  }
0x12: {  	s1 =	sld [smem:$0x3F90];
	s0 =	simm.s32 @p0 $0x1  }
0x13: {  	[smem:$0x3FAB] =	sst s0;
	s0 =	simm.s32 @!p1 $0x0  }
0x14: {  	s2 =	sld [smem:$0x3F8F];
	s0 =	simm.s32 @p1 $0x1  }
0x15: {  	[smem:$0x3FAC] =	sst s0;
	s0 =	simm.s32 @!p2 $0x0  }
0x16: {  	s3 =	sld [smem:$0x3FDB];
	s0 =	simm.s32 @p2 $0x1  }
0x17: {  	s4 =	simm.s32 $0x1BF5;
	[smem:$0x3FAE] =	sst s0  }
0x18: {  	s0 =	sld [smem:$0x3F91];
	_ =	swait.ge [sflag:s4], $0x0  }
0x19: {  	s7 =	sld [smem:$0x3F92]  }
0x1a: {  	s8 =	sadd.s32 $0xFFFFE003, lr  }
0x1b: {  	s9 =	sadd.s32 $0xFFFFFEF7, lr;
	s5 =	simm.s32 $0xFFFFFFFF;
	p2 =	slt.u32 s8, $0xFFFFF086  }
0x1c: {  	p1 =	slt.u32 s9, $0xF7A;
	s5 =	simm.s32 @!p2 $0x0  }
0x1d: {  	s5 =	simm.s32 @p1 $0x1;
	p0 =	seq.s32 s7, s2  }
0x1e: {  	s7 =	smul.u32 @!p0 $0xF7A, s2;
	p2 =	seq.s32 @!p0 s5, $0x0  }
0x1f: {  	s9 =	smul.u32 $0xF7A, s1;
	s8 =	simm.s32 @!p0 $0x1BF5;
	p2 =	por !p2, p0  }
0x20: {  	[sflag:s8] =	ssyncset.s32 @!p0 $0xFFFFF086;
	s6 =	sadd.s32 @!p0 s3, s7;
	s7 =	simm.s32 @!p0 $0x108  }
0x21: {  	s3 =	sadd.s32 s3, s9;
	s6 =	sadd.s32 @!p0 $0x88, s6;
	s7 =	simm.s32 @p2 $0x1082  }
0x22: {  	[simem:s7], [sflag:s8] =	dma.local @!p0 [hbm:s6], $0xF7A  }
0x23: {  	s9 =	sor.u32 $0xD0000000, s2;
	s6 =	simm.s32 $0x108;
	_ =	swait.ge @!p0 [sflag:s8], $0x0  }
0x24: {  	s3 =	sadd.s32 $0x88, s3;
	s6 =	simm.s32 @!p1 $0x1082;
	[sflag:s4] =	ssyncset.s32 $0xFFFFF086  }
0x25: {  	[simem:s6], [sflag:s4] =	dma.local [hbm:s3], $0xF7A  }
0x26: {  	[smem:$0x3F92] =	sst s1;
	(tag) =	ssettag s2;
	_ =	strace s9  }
0x27: {  	s1 =	sld [smem:$0x3FA2]  }
0x28: {  	s2 =	sld [smem:$0x3FA3]  }
0x29: {  	s4 =	sld [smem:$0x3FA5]  }
0x2a: {  	p0 =	seq.s32 s5, $0x0;
	s5 =	sld [smem:$0x3FA6]  }
0x2b: {  	s6 =	sld [smem:$0x3FA7]  }
0x2c: {  	s7 =	sld [smem:$0x3FA8]  }
0x2d: {  	s3 =	simm.s32 $0x108;
	s8 =	sld [smem:$0x3FA9]  }
0x2e: {  	s3 =	simm.s32 @!p0 $0x1082;
	s9 =	sld [smem:$0x3FAA]  }
0x2f: {  	lr =	sadd.s32 s0, s3;
	s0 =	sld [smem:$0x3FA1]  }
0x30: {  	s3 =	sld [smem:$0x3FA4]  }
0x31: {  	[smem:$0x3FAD] =	sst s10  }
0x32: {  	s10 =	sld [smem:$0x3FAB];
	_ =	sdelay $0x3  }
0x33: {  	p0 =	seq.s32 s10, $0x1;
	s10 =	sld [smem:$0x3FAD];
	_ =	sdelay $0x3  }
0x34: {  	[smem:$0x3FAD] =	sst s10  }
0x35: {  	s10 =	sld [smem:$0x3FAC];
	_ =	sdelay $0x3  }
0x36: {  	p1 =	seq.s32 s10, $0x1;
	s10 =	sld [smem:$0x3FAD];
	_ =	sdelay $0x3  }
0x37: {  	[smem:$0x3FAD] =	sst s10  }
0x38: {  	s10 =	sld [smem:$0x3FAE]  }
0x39: {  	_ = 	snop;
	(pc) =	sbr.ind lr, $3  }
0x3a: {  	_ = 	snop  }
0x3b: {  	_ = 	snop  }
0x3c: {  	p2 =	seq.s32 s10, $0x1;
	s10 =	sld [smem:$0x3FAD]  }
0x3d: {  	_ =	shalt  }
0x3e: {  	_ =	shalt  }
0x3f: {  	_ =	shalt  }
0x40: {  	_ =	shalt  }
0x41: {  	_ =	shalt  }
0x42: {  	_ =	shalt  }
0x43: {  	_ =	shalt  }
0x44: {  	_ =	shalt  }
0x45: {  	_ =	shalt  }
0x46: {  	_ =	shalt  }
0x47: {  	_ =	shalt  }
0x48: {  	_ =	shalt  }
0x49: {  	_ =	shalt  }
0x4a: {  	_ =	shalt  }
0x4b: {  	_ =	shalt  }
0x4c: {  	_ =	shalt  }
0x4d: {  	_ =	shalt  }
0x4e: {  	_ =	shalt  }
0x4f: {  	_ =	shalt  }
0x50: {  	_ =	shalt  }
0x51: {  	_ =	shalt  }
0x52: {  	_ =	shalt  }
0x53: {  	_ =	shalt  }
0x54: {  	_ =	shalt  }
0x55: {  	_ =	shalt  }
0x56: {  	_ =	shalt  }
0x57: {  	_ =	shalt  }
0x58: {  	_ =	shalt  }
0x59: {  	_ =	shalt  }
0x5a: {  	_ =	shalt  }
0x5b: {  	_ =	shalt  }
0x5c: {  	_ =	shalt  }
0x5d: {  	_ =	shalt  }
0x5e: {  	_ =	shalt  }
0x5f: {  	_ =	shalt  }
0x60: {  	_ =	shalt  }
0x61: {  	_ =	shalt  }
0x62: {  	_ =	shalt  }
0x63: {  	_ =	shalt  }
0x64: {  	_ =	shalt  }
0x65: {  	_ =	shalt  }
0x66: {  	_ =	shalt  }
0x67: {  	_ =	shalt  }
0x68: {  	_ =	shalt  }
0x69: {  	_ =	shalt  }
0x6a: {  	_ =	shalt  }
0x6b: {  	_ =	shalt  }
0x6c: {  	_ =	shalt  }
0x6d: {  	_ =	shalt  }
0x6e: {  	_ =	shalt  }
0x6f: {  	_ =	shalt  }
0x70: {  	_ =	shalt  }
0x71: {  	_ =	shalt  }
0x72: {  	_ =	shalt  }
0x73: {  	_ =	shalt  }
0x74: {  	_ =	shalt  }
0x75: {  	_ =	shalt  }
0x76: {  	_ =	shalt  }
0x77: {  	_ =	shalt  }
0x78: {  	_ =	shalt  }
0x79: {  	_ =	shalt  }
0x7a: {  	_ =	shalt  }
0x7b: {  	_ =	shalt  }
0x7c: {  	_ =	shalt  }
0x7d: {  	_ =	shalt  }
0x7e: {  	_ =	shalt  }
0x7f: {  	_ =	shalt  }
0x80: {  	_ =	shalt  }
0x81: {  	_ =	shalt  }
0x82: {  	_ =	shalt  }
0x83: {  	_ =	shalt  }
0x84: {  	_ =	shalt  }
0x85: {  	_ =	shalt  }
0x86: {  	_ =	shalt  }
0x87: {  	_ =	shalt  }
.Lfunc_end0:
.L_simem_size_0:
called_computation_lowered:
.L_overlay_start_0:
0x88: {  	s2 =	sld [smem:$0x3FD9]  }
0x89: {  	s3 =	sld [smem:$0x3FFE];
	_ =	sdelay $0x1  }
0x8a: {  	s1 =	srdreg.scid  }
0x8b: {  	s0 =	sand.u32 $0x1, s1  }
0x8c: {  	s16 =	sshll.u32 s0, $0xA;
	s2 =	sadd.s32 s3, s2  }
0x8d: {  	s2 =	sadd.s32 s2, s16  }
0x8e: {  	[smem:$0x3FB9] =	sst s2  }
0x8f: {  	_ = 	snop  }
0x90: {  	(tm) =	ssettm $0x1  }
0x91: {  	s17 =	sld [smem:$0x3FFB];
	_ =	sdelay $0x3  }
0x92: {  	_ =	strace s17  }
0x93: {  	s2 =	sld [smem:$0x3FFC];
	_ =	sdelay $0x3  }
0x94: {  	_ =	strace s2  }
0x95: {  	s2 =	sld [smem:$0x3FFD];
	_ =	sdelay $0x3  }
0x96: {  	_ =	strace s2  }
0x97: {  	_ =	strace $0x8FFFFFFF  }
0x98: {  	s18 =	sld [smem:$0x3FDB];
	_ =	sdelay $0x1  }
0x99: {  	s19 =	simm.s32 $_scs_section_size  }
0x9a: {  	s4 =	simm.s32 $_size__tile_overlayer_lowered;
	s5 =	simm.s32 $_tile_overlayer_lowered  }
0x9b: {  	s22 =	simm.s32 $0x1BFF;
	s21 =	sshll.u32 s5, $0x1;
	s2 =	sadd.s32 s19, s18  }
0x9c: {  	s6 =	simm.s32 $0x0;
	s20 =	sshll.u32 s4, $0x1;
	s4 =	sadd.s32 s21, s2  }
0x9d: {  	[timem:s6], [sflag:s22] =	dma.local [hbm:s4], s20  }
0x9e: {  	_ =	swait.ge [sflag:s22], s20  }
0x9f: {  	s3 =	ssub.s32 $0x0, s20;
	[sflag:s22] =	ssyncset.done $0x0  }
0xa0: {  	[sflag:s22] =	ssyncadd.s32 s3;
	_ =	sdelay $0x1  }
0xa1: {  	s23 =	simm.s32 $0x1B8B  }
0xa2: {  	_ =	swait.ge [sflag:s23], $0x1  }
0xa3: {  	[sflag:s23] =	ssyncset.done $0x0  }
0xa4: {  	s25 =	simm.s32 $0x1B8E;
	s24 =	sld [smem:$0x3FFE];
	[sflag:s23] =	ssyncadd.s32 $0xFFFFFFFF  }
0xa5: {  	s26 =	simm.s32 $execute0_lowered;
	[smem:$0x3FD2] =	sst s25  }
0xa6: {  	s4 =	sshll.u32 s26, $0x1;
	_ =	strace $0x80000046;
	[dreg:$0x1] =	wrdreg $0xFFFFFFFF  }
0xa7: {  	s28 =	simm.s32 $_size_execute0_lowered;
	s2 =	sadd.s32 s2, s4;
	[dreg:$0x0] =	wrdreg $0x0  }
0xa8: {  	s4 =	sshll.u32 s28, $0x1;
	[dreg:$0x2] =	wrdreg s2  }
0xa9: {  	[dreg:$0x3] =	wrdreg s4  }
0xaa: {  	[dreg:$0x4] =	wrdreg $0xC0  }
0xab: {  	_ =	task [dreg:s6], $0x5FFFF  }
0xac: {  	[dreg:$0x1] =	wrdreg $0xFFFFFFFF  }
0xad: {  	[dreg:$0x0] =	wrdreg $0x60  }
0xae: {  	[dreg:$0x2] =	wrdreg s24  }
0xaf: {  	[dreg:$0x3] =	wrdreg $0x9  }
0xb0: {  	_ =	task.clear_ibuf [dreg:s6], $0x4FFFF;
	_ =	strace $0x90000046  }
0xb1: {  	s29 =	simm.s32 $0x9;
	_ =	strace $0x80000048  }
0xb2: {  	_ =	swait.ge [sflag:s29], $0x1  }
0xb3: {  	[sflag:s29] =	ssyncadd.s32 $0xFFFFFFFF  }
0xb4: {  	_ =	strace $0x90000048  }
0xb5: {  	_ =	sfence  }
0xb6: {  	s30 =	sld [smem:$0x0];
	_ =	sdelay $0x2  }
0xb7: {  	s31 =	sshll.u32 s1, $0xD;
	s1 =	sshrl.u32 s1, $0x2  }
0xb8: {  	s3 =	sand.u32 $0x4000, s31;
	s1 =	sadd.s32 s1, s30  }
0xb9: {  	s0 =	sor.u32 s3, s0;
	s1 =	sshll.u32 s1, $0x11  }
0xba: {  	s0 =	sor.u32 s1, s0  }
0xbb: {  	s0 =	sadd.s32 $0x8F2B, s0  }
0xbc: {  	[sflag:s0] =	ssyncadd.remote.s32 $0x1  }
0xbd: {  	_ =	sfence.sel $0xFFFF  }
0xbe: {  	[dreg:$0x0] =	wrdreg $0xFFFFFFFF;
	(pc) =	sbr.abs _section_cstart, $3  }
0xbf: {  	[dreg:$0x1] =	wrdreg $0xFFFFFFFF  }
0xc0: {  	_ =	task.clear_ibuf [dreg:s6], $0x2FFFF;
	_ =	strace $0x9FFFFFFF  }
0xc1: {  	(tm) =	ssettm $0x7FFFFFFF  }
tec
execute0_lowered:
.L_overlay_start_1:
0x0: {  	(tag) =	ssettag $0x1  }
0x1: {  	s0 =	rddreg [dreg:$0x0]  }
0x2: {  	s1 =	srdreg.scid;
	s3 =	stileid.u32  }
0x3: {  	s2 =	simm.s32 $0x0;
	s17 =	simm.s32 $0x2;
	s18 =	simm.s32 $0x40  }
0x4: {  	s19 =	simm.s32 $0x100;
	s20 =	simm.s32 $0x300;
	s21 =	simm.s32 $0x180  }
0x5: {  	s22 =	simm.s32 $0x2300;
	s23 =	simm.s32 $0x200;
	s24 =	simm.s32 $0x4300  }
0x6: {  	s25 =	simm.s32 $0x280;
	s28 =	simm.s32 $0x1;
	s29 =	simm.s32 $0x8300  }
0x7: {  	s30 =	simm.s32 $0x20;
	s31 =	simm.s32 $0x8700;
	s1 =	sand.u32 $0x1, s1  }
0x8: {  	s3 =	sshll.u32 s3, $0x1;
	[smem:$0x7FF] =	sst s2;
	s4 =	sadd.s32 $0x24F200, s0  }
0x9: {  	s11 =	sadd.s32 $0x26200, s0;
	s12 =	sadd.s32 $0x26000, s0;
	s13 =	sadd.s32 $0x25E00, s0  }
0xa: {  	s14 =	sadd.s32 $0x25C00, s0;
	s15 =	sadd.s32 $0x25A00, s0;
	s6 =	sor.u32 s1, s3  }
0xb: {  	s3 =	sadd.s32 $0x18BC00, s0;
	s8 =	ssub.s32 $0x2, s1;
	s1 =	sadd.s32 $0x25800, s0  }
0xc: {  	s5 =	sshll.u32 s6, $0x5;
	s26 =	sshll.u32 s6, $0xC;
	s9 =	sshrl.u32 s8, $0x1  }
0xd: {  	p2 =	seq.s32 s6, $0x18;
	s7 =	sadd.s32 s5, s0;
	s5 =	sadd.s32 $0x5200, s0  }
0xe: {  	s10 =	sadd.s32 s26, s0;
	s16 =	ssub.s32 s8, s9;
	s9 =	sadd.s32 $0x26600, s0  }
0xf: {  	s8 =	sadd.s32 $0x5800, s10;
	s10 =	sadd.s32 $0x26400, s0;
	s0 =	simm.s32 @!p2 $0x0  }
0x10: {  	_ =	strace $0x80000047;
	s0 =	simm.s32 @p2 $0x1;
	p2 =	seq.s32 s6, $0x19  }
0x11: {  	p0 =	sgt.s32 s6, $0x1B;
	[smem:$0x7F9] =	sst s0;
	s0 =	simm.s32 @!p2 $0x0  }
0x12: {  	p1 =	sgt.s32 s6, $0x19;
	s0 =	simm.s32 @p2 $0x1;
	p2 =	seq.s32 s6, $0x1B  }
0x13: {  	p4 =	seq.s32 s6, $0x1A;
	[smem:$0x7FA] =	sst s0;
	s0 =	simm.s32 @!p2 $0x0  }
0x14: {  	p6 =	sgt.s32 s6, $0x1D;
	s0 =	simm.s32 @p2 $0x1;
	p2 =	seq.s32 s6, $0x1D  }
.Ltmp0:
0x15: {  	[smem:$0x7FB] =	sst s0;
	s0 =	simm.s32 @!p2 $0x0;
	(pc) =	sbr.rel .LBB2_1-.Ltmp0, $4  }
0x16: {  	p3 =	seq.s32 s6, $0x1C;
	s0 =	simm.s32 @p2 $0x1;
	p2 =	seq.s32 s6, $0x1F  }
0x17: {  	p5 =	seq.s32 s6, $0x1E;
	[smem:$0x7FC] =	sst s0;
	s0 =	simm.s32 @!p2 $0x0  }
0x18: {  	s26 =	simm.s32 $0x6300;
	s7 =	sadd.s32 $0x5400, s7;
	s0 =	simm.s32 @p2 $0x1  }
0x19: {  	s16 =	smax.u32 s16, $0x1;
	[smem:$0x7FD] =	sst s0;
	s0 =	simm.s32 $0x8680  }
.LBB2_19:
0x1a: {  	[tilespmem:s29], [sflag:$0x2] =	stream.linear.gather [hbm4b:s5+s2], $0x400, $0x38;
	[tilespmem:$0x9700] =	vst v63  }
0x1b: {  	_ =	swait.ge [sflag:s17], $0x400  }
0x1c: {  	[sflag:s17] =	ssyncset.done $0x0  }
0x1d: {  	s6 =	simm.s32 $0x8600;
	[sflag:s17] =	ssyncadd.s32 $0xFFFFFC00  }
0x1e: {  	[tilespmem:s31], [sflag:$0x1] =	stream.indirect.gather [hbm4b:s4+s30], $0x80, s6, s30, $0xb8;
	[tilespmem:$0x9700] =	vst v63  }
0x1f: {  	_ =	swait.ge [sflag:s28], $0x1000  }
0x20: {  	[sflag:s28] =	ssyncset.done $0x0  }
0x21: {  	s6 =	smov.u32 s10;
	[sflag:s28] =	ssyncadd.s32 $0xFFFFF000  }
.LBB2_20:
0x22: {  	[hbm4b:s6+s2] =	stream.linear.scatter [tilespmem:s31], [sflag:$0x2], $0x1000, $0x38;
	[tilespmem:$0x9700] =	vst v63  }
0x23: {  	_ =	swait.ge [sflag:s17], $0x1000  }
0x24: {  	[sflag:s17] =	ssyncset.done $0x0  }
0x25: {  	[sflag:s17] =	ssyncadd.s32 $0xFFFFF000  }
.LBB2_21:
0x26: {  	s16 =	sadd.s32 $0xFFFFFFFF, s16  }
0x27: {  	p2 =	sne.s32 s16, $0x0  }
.Ltmp1:
0x28: {  	_ = 	snop;
	(pc) =	sbr.rel @!p2 .LBB2_22-.Ltmp1, $1  }
0x29: {  	_ =	sdelay $0x3  }
.LBB2_1:
0x2a: {  	[tilespmem:s2], [sflag:$0x2] =	stream.linear.gather [hbm4b:s7+s2], $0x100, $0x38;
	[tilespmem:$0x9700] =	vst v63  }
0x2b: {  	_ =	swait.ge [sflag:s17], $0x100  }
0x2c: {  	[sflag:s17] =	ssyncset.done $0x0  }
0x2d: {  	[sflag:s17] =	ssyncadd.s32 $0xFFFFFF00  }
0x2e: {  	v0 =	vld [tilespmem:$0x0]  }
0x2f: {  	v1 =	vld [tilespmem:$0x10]  }
0x30: {  	v2 =	vld [tilespmem:$0x20]  }
0x31: {  	v3 =	vld [tilespmem:$0x30]  }
0x32: {  	v4 =	vld [tilespmem:$0x40]  }
0x33: {  	v5 =	vld [tilespmem:$0x50];
	v0 =	vshra.s32 v0, $0x1  }
0x34: {  	v40 =	vld [tilespmem:$0x60];
	v39 =	vshra.s32 v1, $0x1;
	[tilespmem:$0x100] =	vst v0  }
0x35: {  	v42 =	vld [tilespmem:$0x70];
	v41 =	vshra.s32 v2, $0x1;
	[tilespmem:$0x110] =	vst v39  }
0x36: {  	v44 =	vld [tilespmem:$0x80];
	v43 =	vshra.s32 v3, $0x1;
	[tilespmem:$0x120] =	vst v41  }
0x37: {  	v46 =	vld [tilespmem:$0x90];
	v45 =	vshra.s32 v4, $0x1;
	[tilespmem:$0x130] =	vst v43  }
0x38: {  	v48 =	vld [tilespmem:$0xA0];
	v47 =	vshra.s32 v5, $0x1;
	[tilespmem:$0x180] =	vst v45  }
0x39: {  	v50 =	vld [tilespmem:$0xB0];
	v49 =	vshra.s32 v40, $0x1;
	[tilespmem:$0x190] =	vst v47  }
0x3a: {  	v52 =	vld [tilespmem:$0xC0];
	v51 =	vshra.s32 v42, $0x1;
	[tilespmem:$0x1A0] =	vst v49  }
0x3b: {  	v54 =	vld [tilespmem:$0xD0];
	v53 =	vshra.s32 v44, $0x1;
	[tilespmem:$0x1B0] =	vst v51  }
0x3c: {  	v56 =	vld [tilespmem:$0xE0];
	v55 =	vshra.s32 v46, $0x1;
	[tilespmem:$0x200] =	vst v53  }
0x3d: {  	v58 =	vld [tilespmem:$0xF0];
	v57 =	vshra.s32 v48, $0x1;
	[tilespmem:$0x210] =	vst v55  }
0x3e: {  	v59 =	vshra.s32 v50, $0x1;
	[tilespmem:$0x220] =	vst v57  }
0x3f: {  	v60 =	vshra.s32 v52, $0x1;
	[tilespmem:$0x230] =	vst v59  }
0x40: {  	v61 =	vshra.s32 v54, $0x1;
	[tilespmem:$0x280] =	vst v60  }
0x41: {  	v62 =	vshra.s32 v56, $0x1;
	[tilespmem:$0x290] =	vst v61  }
0x42: {  	v63 =	vshra.s32 v58, $0x1;
	[tilespmem:$0x2A0] =	vst v62  }
0x43: {  	[tilespmem:$0x2B0] =	vst v63  }
0x44: {  	[tilespmem:s20], [sflag:$0x1] =	stream.indirect.gather [hbm4b:s3+s18], $0x80, s19, s18, $0xb8;
	[tilespmem:$0x9700] =	vst v63  }
0x45: {  	_ = 	snop  }
0x46: {  	[tilespmem:s22], [sflag:$0x1] =	stream.indirect.gather [hbm4b:s3+s18], $0x80, s21, s18, $0xb8;
	[tilespmem:$0x9700] =	vst v63  }
0x47: {  	_ = 	snop  }
0x48: {  	[tilespmem:s24], [sflag:$0x1] =	stream.indirect.gather [hbm4b:s3+s18], $0x80, s23, s18, $0xb8;
	[tilespmem:$0x9700] =	vst v63  }
0x49: {  	_ = 	snop  }
0x4a: {  	[tilespmem:s26], [sflag:$0x1] =	stream.indirect.gather [hbm4b:s3+s18], $0x80, s25, s18, $0xb8;
	[tilespmem:$0x9700] =	vst v63  }
0x4b: {  	_ =	swait.ge [sflag:s28], $0x2000  }
0x4c: {  	[sflag:s28] =	ssyncset.done $0x0  }
0x4d: {  	[sflag:s28] =	ssyncadd.s32 $0xFFFFE000  }
0x4e: {  	_ =	swait.ge [sflag:s28], $0x2000  }
0x4f: {  	[sflag:s28] =	ssyncset.done $0x0  }
0x50: {  	[sflag:s28] =	ssyncadd.s32 $0xFFFFE000  }
0x51: {  	_ =	swait.ge [sflag:s28], $0x2000  }
0x52: {  	[sflag:s28] =	ssyncset.done $0x0  }
0x53: {  	[sflag:s28] =	ssyncadd.s32 $0xFFFFE000  }
0x54: {  	_ =	swait.ge [sflag:s28], $0x2000  }
0x55: {  	[sflag:s28] =	ssyncset.done $0x0  }
.Ltmp2:
0x56: {  	[sflag:s28] =	ssyncadd.s32 $0xFFFFE000;
	(pc) =	sbr.rel @p0 .LBB2_9-.Ltmp2, $4  }
0x57: {  	[hbm4b:s8+s2] =	stream.linear.scatter [tilespmem:s20], [sflag:$0x2], $0x8000, $0x38;
	[tilespmem:$0x9700] =	vst v63  }
0x58: {  	_ =	swait.ge [sflag:s17], $0x8000  }
0x59: {  	[sflag:s17] =	ssyncset.done $0x0  }
0x5a: {  	[sflag:s17] =	ssyncadd.s32 $0xFFFF8000  }
.Ltmp3:
0x5b: {  	(pc) =	sbr.rel @p1 .LBB2_6-.Ltmp3, $1  }
0x5c: {  	_ =	sdelay $0x3  }
0x5d: {  	s6 =	sld [smem:$0x7F9];
	_ =	sdelay $0x2  }
0x5e: {  	p2 =	seq.s32 s6, $0x1  }
.Ltmp4:
0x5f: {  	_ = 	snop;
	(pc) =	sbr.rel @p2 .LBB2_16-.Ltmp4, $1  }
0x60: {  	_ =	sdelay $0x3  }
0x61: {  	s6 =	sld [smem:$0x7FA];
	_ =	sdelay $0x2  }
0x62: {  	p2 =	seq.s32 s6, $0x1  }
.Ltmp5:
0x63: {  	_ = 	snop;
	(pc) =	sbr.rel @!p2 .LBB2_21-.Ltmp5, $1  }
0x64: {  	_ =	sdelay $0x3  }
0x65: {  	[tilespmem:s29], [sflag:$0x2] =	stream.linear.gather [hbm4b:s5+s2], $0x400, $0x38;
	[tilespmem:$0x9700] =	vst v63  }
0x66: {  	_ =	swait.ge [sflag:s17], $0x400  }
0x67: {  	[sflag:s17] =	ssyncset.done $0x0  }
.Ltmp6:
0x68: {  	s6 =	simm.s32 $0x8380;
	[sflag:s17] =	ssyncadd.s32 $0xFFFFFC00;
	(pc) =	sbr.rel .LBB2_20-.Ltmp6, $4  }
0x69: {  	[tilespmem:s31], [sflag:$0x1] =	stream.indirect.gather [hbm4b:s4+s30], $0x80, s6, s30, $0xb8;
	[tilespmem:$0x9700] =	vst v63  }
0x6a: {  	_ =	swait.ge [sflag:s28], $0x1000  }
0x6b: {  	[sflag:s28] =	ssyncset.done $0x0  }
0x6c: {  	s6 =	smov.u32 s15;
	[sflag:s28] =	ssyncadd.s32 $0xFFFFF000  }
.LBB2_9:
.Ltmp7:
0x6d: {  	(pc) =	sbr.rel @p6 .LBB2_13-.Ltmp7, $1  }
0x6e: {  	_ =	sdelay $0x3  }
.Ltmp8:
0x6f: {  	(pc) =	sbr.rel @p3 .LBB2_18-.Ltmp8, $1  }
0x70: {  	_ =	sdelay $0x3  }
0x71: {  	s6 =	sld [smem:$0x7FC];
	_ =	sdelay $0x2  }
0x72: {  	p2 =	seq.s32 s6, $0x1  }
.Ltmp9:
0x73: {  	_ = 	snop;
	(pc) =	sbr.rel @!p2 .LBB2_21-.Ltmp9, $1  }
0x74: {  	_ =	sdelay $0x3  }
0x75: {  	[tilespmem:s29], [sflag:$0x2] =	stream.linear.gather [hbm4b:s5+s2], $0x400, $0x38;
	[tilespmem:$0x9700] =	vst v63  }
0x76: {  	_ =	swait.ge [sflag:s17], $0x400  }
0x77: {  	[sflag:s17] =	ssyncset.done $0x0  }
.Ltmp10:
0x78: {  	s6 =	simm.s32 $0x8580;
	[sflag:s17] =	ssyncadd.s32 $0xFFFFFC00;
	(pc) =	sbr.rel .LBB2_20-.Ltmp10, $4  }
0x79: {  	[tilespmem:s31], [sflag:$0x1] =	stream.indirect.gather [hbm4b:s4+s30], $0x80, s6, s30, $0xb8;
	[tilespmem:$0x9700] =	vst v63  }
0x7a: {  	_ =	swait.ge [sflag:s28], $0x1000  }
0x7b: {  	[sflag:s28] =	ssyncset.done $0x0  }
0x7c: {  	s6 =	smov.u32 s11;
	[sflag:s28] =	ssyncadd.s32 $0xFFFFF000  }
.LBB2_6:
.Ltmp11:
0x7d: {  	(pc) =	sbr.rel @p4 .LBB2_17-.Ltmp11, $1  }
0x7e: {  	_ =	sdelay $0x3  }
0x7f: {  	s6 =	sld [smem:$0x7FB];
	_ =	sdelay $0x2  }
0x80: {  	p2 =	seq.s32 s6, $0x1  }
.Ltmp12:
0x81: {  	_ = 	snop;
	(pc) =	sbr.rel @!p2 .LBB2_21-.Ltmp12, $1  }
0x82: {  	_ =	sdelay $0x3  }
0x83: {  	[tilespmem:s29], [sflag:$0x2] =	stream.linear.gather [hbm4b:s5+s2], $0x400, $0x38;
	[tilespmem:$0x9700] =	vst v63  }
0x84: {  	_ =	swait.ge [sflag:s17], $0x400  }
0x85: {  	[sflag:s17] =	ssyncset.done $0x0  }
.Ltmp13:
0x86: {  	s6 =	simm.s32 $0x8480;
	[sflag:s17] =	ssyncadd.s32 $0xFFFFFC00;
	(pc) =	sbr.rel .LBB2_20-.Ltmp13, $4  }
0x87: {  	[tilespmem:s31], [sflag:$0x1] =	stream.indirect.gather [hbm4b:s4+s30], $0x80, s6, s30, $0xb8;
	[tilespmem:$0x9700] =	vst v63  }
0x88: {  	_ =	swait.ge [sflag:s28], $0x1000  }
0x89: {  	[sflag:s28] =	ssyncset.done $0x0  }
0x8a: {  	s6 =	smov.u32 s13;
	[sflag:s28] =	ssyncadd.s32 $0xFFFFF000  }
.LBB2_13:
.Ltmp14:
0x8b: {  	(pc) =	sbr.rel @p5 .LBB2_19-.Ltmp14, $1  }
0x8c: {  	_ =	sdelay $0x3  }
0x8d: {  	s6 =	sld [smem:$0x7FD];
	_ =	sdelay $0x2  }
0x8e: {  	p2 =	seq.s32 s6, $0x1  }
.Ltmp15:
0x8f: {  	_ = 	snop;
	(pc) =	sbr.rel @!p2 .LBB2_21-.Ltmp15, $1  }
0x90: {  	_ =	sdelay $0x3  }
0x91: {  	[tilespmem:s29], [sflag:$0x2] =	stream.linear.gather [hbm4b:s5+s2], $0x400, $0x38;
	[tilespmem:$0x9700] =	vst v63  }
0x92: {  	_ =	swait.ge [sflag:s17], $0x400  }
0x93: {  	[sflag:s17] =	ssyncset.done $0x0  }
.Ltmp16:
0x94: {  	[sflag:s17] =	ssyncadd.s32 $0xFFFFFC00;
	(pc) =	sbr.rel .LBB2_20-.Ltmp16, $4  }
0x95: {  	[tilespmem:s31], [sflag:$0x1] =	stream.indirect.gather [hbm4b:s4+s30], $0x80, s0, s30, $0xb8;
	[tilespmem:$0x9700] =	vst v63  }
0x96: {  	_ =	swait.ge [sflag:s28], $0x1000  }
0x97: {  	[sflag:s28] =	ssyncset.done $0x0  }
0x98: {  	s6 =	smov.u32 s9;
	[sflag:s28] =	ssyncadd.s32 $0xFFFFF000  }
.LBB2_16:
0x99: {  	[tilespmem:s29], [sflag:$0x2] =	stream.linear.gather [hbm4b:s5+s2], $0x400, $0x38;
	[tilespmem:$0x9700] =	vst v63  }
0x9a: {  	_ =	swait.ge [sflag:s17], $0x400  }
0x9b: {  	[sflag:s17] =	ssyncset.done $0x0  }
.Ltmp17:
0x9c: {  	[sflag:s17] =	ssyncadd.s32 $0xFFFFFC00;
	(pc) =	sbr.rel .LBB2_20-.Ltmp17, $4  }
0x9d: {  	[tilespmem:s31], [sflag:$0x1] =	stream.indirect.gather [hbm4b:s4+s30], $0x80, s29, s30, $0xb8;
	[tilespmem:$0x9700] =	vst v63  }
0x9e: {  	_ =	swait.ge [sflag:s28], $0x1000  }
0x9f: {  	[sflag:s28] =	ssyncset.done $0x0  }
0xa0: {  	s6 =	smov.u32 s1;
	[sflag:s28] =	ssyncadd.s32 $0xFFFFF000  }
.LBB2_18:
0xa1: {  	[tilespmem:s29], [sflag:$0x2] =	stream.linear.gather [hbm4b:s5+s2], $0x400, $0x38;
	[tilespmem:$0x9700] =	vst v63  }
0xa2: {  	_ =	swait.ge [sflag:s17], $0x400  }
0xa3: {  	[sflag:s17] =	ssyncset.done $0x0  }
.Ltmp18:
0xa4: {  	s6 =	simm.s32 $0x8500;
	[sflag:s17] =	ssyncadd.s32 $0xFFFFFC00;
	(pc) =	sbr.rel .LBB2_20-.Ltmp18, $4  }
0xa5: {  	[tilespmem:s31], [sflag:$0x1] =	stream.indirect.gather [hbm4b:s4+s30], $0x80, s6, s30, $0xb8;
	[tilespmem:$0x9700] =	vst v63  }
0xa6: {  	_ =	swait.ge [sflag:s28], $0x1000  }
0xa7: {  	[sflag:s28] =	ssyncset.done $0x0  }
0xa8: {  	s6 =	smov.u32 s12;
	[sflag:s28] =	ssyncadd.s32 $0xFFFFF000  }
.LBB2_17:
0xa9: {  	[tilespmem:s29], [sflag:$0x2] =	stream.linear.gather [hbm4b:s5+s2], $0x400, $0x38;
	[tilespmem:$0x9700] =	vst v63  }
0xaa: {  	_ =	swait.ge [sflag:s17], $0x400  }
0xab: {  	[sflag:s17] =	ssyncset.done $0x0  }
.Ltmp19:
0xac: {  	s6 =	simm.s32 $0x8400;
	[sflag:s17] =	ssyncadd.s32 $0xFFFFFC00;
	(pc) =	sbr.rel .LBB2_20-.Ltmp19, $4  }
0xad: {  	[tilespmem:s31], [sflag:$0x1] =	stream.indirect.gather [hbm4b:s4+s30], $0x80, s6, s30, $0xb8;
	[tilespmem:$0x9700] =	vst v63  }
0xae: {  	_ =	swait.ge [sflag:s28], $0x1000  }
0xaf: {  	[sflag:s28] =	ssyncset.done $0x0  }
0xb0: {  	s6 =	smov.u32 s14;
	[sflag:s28] =	ssyncadd.s32 $0xFFFFF000  }
.LBB2_22:
0xb1: {  	_ =	sfence.sel $0x180000  }
0xb2: {  	[bflag:$0x0] =	sbarrier.arrive $0xFFFF  }
0xb3: {  	_ =	strace $0x90000047  }
0xb4: {  	s0 =	stileid.u32;
	[bflag:$0x2] =	sbarrier.arrive $0xFFFF  }
0xb5: {  	p0 =	sne.s32 s0, $0x0;
	s0 =	rddreg [dreg:$0x1]  }
0xb6: {  	s0 =	sadd.s32 @!p0 $0x100000, s0  }
0xb7: {  	[sflag:s0] =	ssyncadd.tile.s32 @!p0 $0x1;
	_ =	shalt  }
.Lfunc_end2:
_tile_overlayer_lowered:
.L_overlay_start_2:
0xb8: {  	(tag) =	ssettag $0x2  }
0xb9: {  	s0 =	rddreg [dreg:$0x0];
	s2 =	stileid.u32  }
0xba: {  	s1 =	rddreg [dreg:$0x1];
	p0 =	sne.s32 s2, $0x0  }
0xbb: {  	s3 =	rddreg [dreg:$0x2];
	[bflag:$0x3] =	sbarrier.arrive $0xFFFF;
	s2 =	simm.s32 @!p0 $0x1C02  }
0xbc: {  	[timem:s3], [sflag:s2] =	dma.local @!p0 [hbm:s0], s1  }
0xbd: {  	s0 =	simm.s32 @!p0 $0x2  }
0xbe: {  	_ =	swait.ge @!p0 [sflag:s0], s1  }
0xbf: {  	s1 =	ssub.s32 @!p0 $0x0, s1;
	[sflag:s0] =	ssyncset.done @!p0 $0x0  }
0xc0: {  	[sflag:s0] =	ssyncadd.s32 @!p0 s1  }
0xc1: {  	[bflag:$0x3] =	sbarrier.arrive $0xFFFF  }
0xc2: {  	_ =	shalt  }

// kernel: kernel.9.cloned.1.call-start
scs
__scs_entry_jumppad:
0x0: {  	(pc) =	sbr.rel $0x88, $3  }
0x1: {  	(tag) =	ssettag $0x0;
	lr =	simm.s32 $0x1  }
0x2: {  	[smem:$0x3F92] =	sst lr;
	_ =	strace $0xD0000000  }
0x3: {  	_ = 	snop  }
0x4: {  	_ = 	snop  }
0x5: {  	_ = 	snop  }
0x6: {  	_ = 	snop  }
0x7: {  	_ = 	snop  }
__scs_overlays_trampoline_lowered:
0x8: {  	[smem:$0x3FA1] =	sst s0  }
0x9: {  	[smem:$0x3FA2] =	sst s1  }
0xa: {  	[smem:$0x3FA3] =	sst s2  }
0xb: {  	[smem:$0x3FA4] =	sst s3  }
0xc: {  	[smem:$0x3FA5] =	sst s4  }
0xd: {  	[smem:$0x3FA6] =	sst s5  }
0xe: {  	[smem:$0x3FA7] =	sst s6  }
0xf: {  	[smem:$0x3FA8] =	sst s7  }
0x10: {  	[smem:$0x3FA9] =	sst s8  }
0x11: {  	[smem:$0x3FAA] =	sst s9;
	s0 =	simm.s32 @!p0 $0x0  }
0x12: {  	s1 =	sld [smem:$0x3F90];
	s0 =	simm.s32 @p0 $0x1  }
0x13: {  	[smem:$0x3FAB] =	sst s0;
	s0 =	simm.s32 @!p1 $0x0  }
0x14: {  	s2 =	sld [smem:$0x3F8F];
	s0 =	simm.s32 @p1 $0x1  }
0x15: {  	[smem:$0x3FAC] =	sst s0;
	s0 =	simm.s32 @!p2 $0x0  }
0x16: {  	s3 =	sld [smem:$0x3FDB];
	s0 =	simm.s32 @p2 $0x1  }
0x17: {  	s4 =	simm.s32 $0x1BF5;
	[smem:$0x3FAE] =	sst s0  }
0x18: {  	s0 =	sld [smem:$0x3F91];
	_ =	swait.ge [sflag:s4], $0x0  }
0x19: {  	s7 =	sld [smem:$0x3F92]  }
0x1a: {  	s8 =	sadd.s32 $0xFFFFE003, lr  }
0x1b: {  	s9 =	sadd.s32 $0xFFFFFEF7, lr;
	s5 =	simm.s32 $0xFFFFFFFF;
	p2 =	slt.u32 s8, $0xFFFFF086  }
0x1c: {  	p1 =	slt.u32 s9, $0xF7A;
	s5 =	simm.s32 @!p2 $0x0  }
0x1d: {  	s5 =	simm.s32 @p1 $0x1;
	p0 =	seq.s32 s7, s2  }
0x1e: {  	s7 =	smul.u32 @!p0 $0xF7A, s2;
	p2 =	seq.s32 @!p0 s5, $0x0  }
0x1f: {  	s9 =	smul.u32 $0xF7A, s1;
	s8 =	simm.s32 @!p0 $0x1BF5;
	p2 =	por !p2, p0  }
0x20: {  	[sflag:s8] =	ssyncset.s32 @!p0 $0xFFFFF086;
	s6 =	sadd.s32 @!p0 s3, s7;
	s7 =	simm.s32 @!p0 $0x108  }
0x21: {  	s3 =	sadd.s32 s3, s9;
	s6 =	sadd.s32 @!p0 $0x88, s6;
	s7 =	simm.s32 @p2 $0x1082  }
0x22: {  	[simem:s7], [sflag:s8] =	dma.local @!p0 [hbm:s6], $0xF7A  }
0x23: {  	s9 =	sor.u32 $0xD0000000, s2;
	s6 =	simm.s32 $0x108;
	_ =	swait.ge @!p0 [sflag:s8], $0x0  }
0x24: {  	s3 =	sadd.s32 $0x88, s3;
	s6 =	simm.s32 @!p1 $0x1082;
	[sflag:s4] =	ssyncset.s32 $0xFFFFF086  }
0x25: {  	[simem:s6], [sflag:s4] =	dma.local [hbm:s3], $0xF7A  }
0x26: {  	[smem:$0x3F92] =	sst s1;
	(tag) =	ssettag s2;
	_ =	strace s9  }
0x27: {  	s1 =	sld [smem:$0x3FA2]  }
0x28: {  	s2 =	sld [smem:$0x3FA3]  }
0x29: {  	s4 =	sld [smem:$0x3FA5]  }
0x2a: {  	p0 =	seq.s32 s5, $0x0;
	s5 =	sld [smem:$0x3FA6]  }
0x2b: {  	s6 =	sld [smem:$0x3FA7]  }
0x2c: {  	s7 =	sld [smem:$0x3FA8]  }
0x2d: {  	s3 =	simm.s32 $0x108;
	s8 =	sld [smem:$0x3FA9]  }
0x2e: {  	s3 =	simm.s32 @!p0 $0x1082;
	s9 =	sld [smem:$0x3FAA]  }
0x2f: {  	lr =	sadd.s32 s0, s3;
	s0 =	sld [smem:$0x3FA1]  }
0x30: {  	s3 =	sld [smem:$0x3FA4]  }
0x31: {  	[smem:$0x3FAD] =	sst s10  }
0x32: {  	s10 =	sld [smem:$0x3FAB];
	_ =	sdelay $0x3  }
0x33: {  	p0 =	seq.s32 s10, $0x1;
	s10 =	sld [smem:$0x3FAD];
	_ =	sdelay $0x3  }
0x34: {  	[smem:$0x3FAD] =	sst s10  }
0x35: {  	s10 =	sld [smem:$0x3FAC];
	_ =	sdelay $0x3  }
0x36: {  	p1 =	seq.s32 s10, $0x1;
	s10 =	sld [smem:$0x3FAD];
	_ =	sdelay $0x3  }
0x37: {  	[smem:$0x3FAD] =	sst s10  }
0x38: {  	s10 =	sld [smem:$0x3FAE]  }
0x39: {  	_ = 	snop;
	(pc) =	sbr.ind lr, $3  }
0x3a: {  	_ = 	snop  }
0x3b: {  	_ = 	snop  }
0x3c: {  	p2 =	seq.s32 s10, $0x1;
	s10 =	sld [smem:$0x3FAD]  }
0x3d: {  	_ =	shalt  }
0x3e: {  	_ =	shalt  }
0x3f: {  	_ =	shalt  }
0x40: {  	_ =	shalt  }
0x41: {  	_ =	shalt  }
0x42: {  	_ =	shalt  }
0x43: {  	_ =	shalt  }
0x44: {  	_ =	shalt  }
0x45: {  	_ =	shalt  }
0x46: {  	_ =	shalt  }
0x47: {  	_ =	shalt  }
0x48: {  	_ =	shalt  }
0x49: {  	_ =	shalt  }
0x4a: {  	_ =	shalt  }
0x4b: {  	_ =	shalt  }
0x4c: {  	_ =	shalt  }
0x4d: {  	_ =	shalt  }
0x4e: {  	_ =	shalt  }
0x4f: {  	_ =	shalt  }
0x50: {  	_ =	shalt  }
0x51: {  	_ =	shalt  }
0x52: {  	_ =	shalt  }
0x53: {  	_ =	shalt  }
0x54: {  	_ =	shalt  }
0x55: {  	_ =	shalt  }
0x56: {  	_ =	shalt  }
0x57: {  	_ =	shalt  }
0x58: {  	_ =	shalt  }
0x59: {  	_ =	shalt  }
0x5a: {  	_ =	shalt  }
0x5b: {  	_ =	shalt  }
0x5c: {  	_ =	shalt  }
0x5d: {  	_ =	shalt  }
0x5e: {  	_ =	shalt  }
0x5f: {  	_ =	shalt  }
0x60: {  	_ =	shalt  }
0x61: {  	_ =	shalt  }
0x62: {  	_ =	shalt  }
0x63: {  	_ =	shalt  }
0x64: {  	_ =	shalt  }
0x65: {  	_ =	shalt  }
0x66: {  	_ =	shalt  }
0x67: {  	_ =	shalt  }
0x68: {  	_ =	shalt  }
0x69: {  	_ =	shalt  }
0x6a: {  	_ =	shalt  }
0x6b: {  	_ =	shalt  }
0x6c: {  	_ =	shalt  }
0x6d: {  	_ =	shalt  }
0x6e: {  	_ =	shalt  }
0x6f: {  	_ =	shalt  }
0x70: {  	_ =	shalt  }
0x71: {  	_ =	shalt  }
0x72: {  	_ =	shalt  }
0x73: {  	_ =	shalt  }
0x74: {  	_ =	shalt  }
0x75: {  	_ =	shalt  }
0x76: {  	_ =	shalt  }
0x77: {  	_ =	shalt  }
0x78: {  	_ =	shalt  }
0x79: {  	_ =	shalt  }
0x7a: {  	_ =	shalt  }
0x7b: {  	_ =	shalt  }
0x7c: {  	_ =	shalt  }
0x7d: {  	_ =	shalt  }
0x7e: {  	_ =	shalt  }
0x7f: {  	_ =	shalt  }
0x80: {  	_ =	shalt  }
0x81: {  	_ =	shalt  }
0x82: {  	_ =	shalt  }
0x83: {  	_ =	shalt  }
0x84: {  	_ =	shalt  }
0x85: {  	_ =	shalt  }
0x86: {  	_ =	shalt  }
0x87: {  	_ =	shalt  }
.Lfunc_end0:
.L_simem_size_0:
called_computation.1_lowered:
.L_overlay_start_0:
0x88: {  	s2 =	sld [smem:$0x3FD9]  }
0x89: {  	s3 =	sld [smem:$0x3FFE];
	_ =	sdelay $0x1  }
0x8a: {  	s1 =	srdreg.scid  }
0x8b: {  	s0 =	sand.u32 $0x1, s1  }
0x8c: {  	s17 =	sshll.u32 s0, $0xA;
	s2 =	sadd.s32 s3, s2  }
0x8d: {  	s2 =	sadd.s32 s2, s17  }
0x8e: {  	[smem:$0x3FB9] =	sst s2  }
0x8f: {  	_ = 	snop  }
0x90: {  	s18 =	sld [smem:$0x3FD0];
	(tm) =	ssettm $0x1  }
0x91: {  	s19 =	sld [smem:$0x3FFB];
	_ =	sdelay $0x3  }
0x92: {  	_ =	strace s19  }
0x93: {  	s2 =	sld [smem:$0x3FFC];
	_ =	sdelay $0x3  }
0x94: {  	_ =	strace s2  }
0x95: {  	s2 =	sld [smem:$0x3FFD];
	_ =	sdelay $0x3  }
0x96: {  	_ =	strace s2  }
0x97: {  	_ =	strace $0x8FFFFFFF  }
0x98: {  	s20 =	sld [smem:$0x3FDB];
	_ =	sdelay $0x1  }
0x99: {  	s4 =	simm.s32 $_scs_section_size  }
0x9a: {  	s5 =	simm.s32 $_size__tile_overlayer_lowered;
	s6 =	simm.s32 $_tile_overlayer_lowered  }
0x9b: {  	s7 =	simm.s32 $0x1BFF;
	s21 =	sshll.u32 s6, $0x1;
	s4 =	sadd.s32 s4, s20  }
0x9c: {  	s22 =	simm.s32 $0x0;
	s5 =	sshll.u32 s5, $0x1;
	s6 =	sadd.s32 s21, s4  }
0x9d: {  	[timem:s22], [sflag:s7] =	dma.local [hbm:s6], s5  }
0x9e: {  	_ =	swait.ge [sflag:s7], s5  }
0x9f: {  	s5 =	ssub.s32 $0x0, s5;
	[sflag:s7] =	ssyncset.done $0x0  }
0xa0: {  	[sflag:s7] =	ssyncadd.s32 s5;
	_ =	sdelay $0x1  }
0xa1: {  	s23 =	simm.s32 $0x1B8B  }
0xa2: {  	_ =	swait.ge [sflag:s23], $0x1  }
0xa3: {  	[sflag:s23] =	ssyncset.done $0x0  }
0xa4: {  	[sflag:s23] =	ssyncadd.s32 $0xFFFFFFFF  }
0xa5: {  	s5 =	sld [smem:$0x0]  }
0xa6: {  	s6 =	sand.u32 $0xFFFFFFFE, s1  }
0xa7: {  	p0 =	sne.s32 s1, s6  }
0xa8: {  	s6 =	sshll.u32 @p0 s6, $0xE  }
0xa9: {  	s6 =	sadd.s32 @p0 $0x11B8D, s6;
	s7 =	sshll.u32 @p0 s5, $0x11  }
0xaa: {  	s6 =	sor.u32 @p0 s7, s6  }
0xab: {  	[sflag:s6] =	ssyncadd.remote.s32 @p0 $0x1;
	_ =	sdelay $0x1  }
0xac: {  	s6 =	simm.s32 @p0 $0x1B8D  }
0xad: {  	_ =	swait.eq @p0 [sflag:s6], $0x1  }
0xae: {  	[sflag:s6] =	ssyncadd.s32 @p0 $0xFFFFFFFF  }
0xaf: {  	s7 =	sshll.u32 @!p0 s1, $0xE  }
0xb0: {  	s7 =	sor.u32 @!p0 $0x4000, s7;
	s6 =	simm.s32 @!p0 $0x1B8D  }
0xb1: {  	s5 =	sshll.u32 @!p0 s5, $0x11;
	s7 =	sadd.s32 @!p0 $0x11B8D, s7;
	_ =	swait.eq @!p0 [sflag:s6], $0x1  }
0xb2: {  	s5 =	sor.u32 @!p0 s5, s7;
	[sflag:s6] =	ssyncadd.s32 @!p0 $0xFFFFFFFF  }
0xb3: {  	s25 =	simm.s32 $0x1B8E;
	s24 =	sld [smem:$0x3FFE];
	[sflag:s5] =	ssyncadd.remote.s32 @!p0 $0x1  }
0xb4: {  	s26 =	simm.s32 $execute0_lowered;
	[smem:$0x3FD2] =	sst s25  }
0xb5: {  	s6 =	sshll.u32 s26, $0x1;
	_ =	strace $0x80000049;
	[dreg:$0x1] =	wrdreg $0xFFFFFFFF  }
0xb6: {  	s28 =	simm.s32 $_size_execute0_lowered;
	s4 =	sadd.s32 s4, s6;
	[dreg:$0x0] =	wrdreg $0x0  }
0xb7: {  	s6 =	sshll.u32 s28, $0x1;
	[dreg:$0x2] =	wrdreg s4  }
0xb8: {  	[dreg:$0x3] =	wrdreg s6  }
0xb9: {  	[dreg:$0x4] =	wrdreg $0xC0  }
0xba: {  	_ =	task [dreg:s22], $0x5FFFF  }
0xbb: {  	[dreg:$0x1] =	wrdreg $0xFFFFFFFF  }
0xbc: {  	[dreg:$0x0] =	wrdreg $0x60  }
0xbd: {  	[dreg:$0x2] =	wrdreg s24  }
0xbe: {  	[dreg:$0x3] =	wrdreg s18  }
0xbf: {  	[dreg:$0x4] =	wrdreg $0xA  }
0xc0: {  	_ =	task.clear_ibuf [dreg:s22], $0x5FFFF;
	_ =	strace $0x90000049  }
0xc1: {  	s29 =	simm.s32 $0xA;
	_ =	strace $0x8000004B  }
0xc2: {  	_ =	swait.ge [sflag:s29], $0x1  }
0xc3: {  	[sflag:s29] =	ssyncadd.s32 $0xFFFFFFFF  }
0xc4: {  	_ =	strace $0x9000004B  }
0xc5: {  	_ =	sfence  }
0xc6: {  	s30 =	sld [smem:$0x0];
	_ =	sdelay $0x2  }
0xc7: {  	s31 =	sshll.u32 s1, $0xD;
	s1 =	sshrl.u32 s1, $0x2  }
0xc8: {  	s4 =	sand.u32 $0x4000, s31;
	s1 =	sadd.s32 s1, s30  }
0xc9: {  	s0 =	sor.u32 s4, s0;
	s1 =	sshll.u32 s1, $0x11  }
0xca: {  	s0 =	sor.u32 s1, s0  }
0xcb: {  	s0 =	sadd.s32 $0x8F2B, s0  }
0xcc: {  	[sflag:s0] =	ssyncadd.remote.s32 $0x1  }
0xcd: {  	_ =	sfence.sel $0xFFFF  }
0xce: {  	[dreg:$0x0] =	wrdreg $0xFFFFFFFF;
	(pc) =	sbr.abs _section_cstart, $3  }
0xcf: {  	[dreg:$0x1] =	wrdreg $0xFFFFFFFF  }
0xd0: {  	_ =	task.clear_ibuf [dreg:s22], $0x2FFFF;
	_ =	strace $0x9FFFFFFF  }
0xd1: {  	(tm) =	ssettm $0x7FFFFFFF  }
tec
execute0_lowered:
.L_overlay_start_1:
0x0: {  	(tag) =	ssettag $0x1  }
0x1: {  	s9 =	rddreg [dreg:$0x0]  }
0x2: {  	s1 =	srdreg.scid;
	s0 =	stileid.u32  }
0x3: {  	s3 =	rddreg [dreg:$0x1];
	s5 =	sand.u32 $0x1, s1;
	s4 =	sshll.u32 s0, $0x1  }
0x4: {  	s2 =	simm.s32 $0x0;
	s1 =	rddreg [dreg:$0x2];
	s7 =	sor.u32 s5, s4  }
0x5: {  	[smem:$0x7FF] =	sst s2;
	s4 =	sshll.u32 s7, $0x5  }
0x6: {  	_ =	strace $0x8000004A;
	s4 =	sadd.s32 s3, s4;
	s3 =	simm.s32 $0x2  }
0x7: {  	[tilespmem:s2], [sflag:$0x2] =	stream.linear.gather [hbm4b:s4+s2], $0x100, $0x38;
	[tilespmem:$0x8300] =	vst v63  }
0x8: {  	_ =	swait.ge [sflag:s3], $0x100  }
0x9: {  	[sflag:s3] =	ssyncset.done $0x0  }
0xa: {  	[sflag:s3] =	ssyncadd.s32 $0xFFFFFF00  }
0xb: {  	v0 =	vld [tilespmem:$0xF0]  }
0xc: {  	v1 =	vld [tilespmem:$0xB0]  }
0xd: {  	v2 =	vld [tilespmem:$0xD0]  }
0xe: {  	v3 =	vld [tilespmem:$0xC0]  }
0xf: {  	v4 =	vld [tilespmem:$0x30]  }
0x10: {  	v5 =	vld [tilespmem:$0xA0];
	v0 =	vshra.s32 v0, $0x1  }
0x11: {  	v6 =	vld [tilespmem:$0x90];
	v1 =	vshra.s32 v1, $0x1;
	[tilespmem:$0x2B0] =	vst v0  }
0x12: {  	v50 =	vld [tilespmem:$0x70];
	v49 =	vshra.s32 v2, $0x1;
	[tilespmem:$0x230] =	vst v1  }
0x13: {  	v52 =	vld [tilespmem:$0x60];
	v3 =	vshra.s32 v3, $0x1;
	[tilespmem:$0x290] =	vst v49  }
0x14: {  	v55 =	vld [tilespmem:$0x40];
	v51 =	vshra.s32 v4, $0x1;
	[tilespmem:$0x280] =	vst v3  }
0x15: {  	v56 =	vld [tilespmem:$0xE0];
	v54 =	vshra.s32 v5, $0x1;
	[tilespmem:$0x130] =	vst v51  }
0x16: {  	v57 =	vld [tilespmem:$0x20];
	v6 =	vshra.s32 v6, $0x1;
	[tilespmem:$0x220] =	vst v54  }
0x17: {  	v59 =	vld [tilespmem:$0x0];
	v2 =	vshra.s32 v50, $0x1;
	[tilespmem:$0x210] =	vst v6  }
0x18: {  	v48 =	vld [tilespmem:$0x80];
	v4 =	vshra.s32 v52, $0x1;
	[tilespmem:$0x1B0] =	vst v2  }
0x19: {  	v53 =	vld [tilespmem:$0x50];
	v60 =	vshra.s32 v55, $0x1;
	[tilespmem:$0x1A0] =	vst v4  }
0x1a: {  	v58 =	vld [tilespmem:$0x10];
	v61 =	vshra.s32 v56, $0x1;
	[tilespmem:$0x180] =	vst v60  }
0x1b: {  	v62 =	vshra.s32 v57, $0x1;
	[tilespmem:$0x2A0] =	vst v61  }
0x1c: {  	v63 =	vshra.s32 v59, $0x1;
	[tilespmem:$0x120] =	vst v62  }
0x1d: {  	s13 =	ssub.s32 $0x2, s5;
	v0 =	vshra.s32 v48, $0x1;
	[tilespmem:$0x100] =	vst v63  }
0x1e: {  	s8 =	simm.s32 $0x100;
	s14 =	sshrl.u32 s13, $0x1;
	v1 =	vshra.s32 v53, $0x1;
	[tilespmem:$0x200] =	vst v0  }
0x1f: {  	s6 =	sadd.s32 $0x18BC00, s9;
	s5 =	simm.s32 $0x300;
	s15 =	ssub.s32 s13, s14;
	[tilespmem:$0x190] =	vst v1;
	v0 =	vshra.s32 v58, $0x1  }
0x20: {  	s12 =	sshll.u32 s7, $0xC;
	s7 =	simm.s32 $0x40;
	s17 =	smax.u32 s15, $0x1;
	[tilespmem:$0x110] =	vst v0  }
0x21: {  	[tilespmem:s5], [sflag:$0x1] =	stream.indirect.gather [hbm4b:s6+s7], $0x80, s8, s7, $0xb8;
	[tilespmem:$0x8300] =	vst v63  }
0x22: {  	s10 =	simm.s32 $0x180;
	s11 =	simm.s32 $0x2300;
	p0 =	sne.s32 s17, $0x1  }
0x23: {  	[tilespmem:s11], [sflag:$0x1] =	stream.indirect.gather [hbm4b:s6+s7], $0x80, s10, s7, $0xb8;
	[tilespmem:$0x8300] =	vst v63  }
.Ltmp0:
0x24: {  	s16 =	simm.s32 $0x6300;
	s13 =	simm.s32 $0x200;
	(pc) =	sbr.rel @!p0 .LBB2_2-.Ltmp0, $4  }
0x25: {  	s14 =	simm.s32 $0x4300;
	s9 =	sadd.s32 s12, s9;
	s12 =	simm.s32 $0x1  }
0x26: {  	[tilespmem:s14], [sflag:$0x1] =	stream.indirect.gather [hbm4b:s6+s7], $0x80, s13, s7, $0xb8;
	[tilespmem:$0x8300] =	vst v63  }
0x27: {  	s15 =	simm.s32 $0x280;
	s9 =	sadd.s32 $0x26800, s9;
	s17 =	sadd.s32 $0xFFFFFFFF, s17  }
0x28: {  	[tilespmem:s16], [sflag:$0x1] =	stream.indirect.gather [hbm4b:s6+s7], $0x80, s15, s7, $0xb8;
	[tilespmem:$0x8300] =	vst v63  }
.LBB2_1:
0x29: {  	p0 =	sne.s32 s17, $0x1;
	s17 =	sadd.s32 $0xFFFFFFFF, s17;
	_ =	swait.ge [sflag:s12], $0x2000  }
0x2a: {  	[sflag:s12] =	ssyncset.done $0x0  }
0x2b: {  	[sflag:s12] =	ssyncadd.s32 $0xFFFFE000  }
0x2c: {  	_ =	swait.ge [sflag:s12], $0x2000  }
0x2d: {  	[sflag:s12] =	ssyncset.done $0x0  }
0x2e: {  	[sflag:s12] =	ssyncadd.s32 $0xFFFFE000  }
0x2f: {  	_ =	swait.ge [sflag:s12], $0x2000  }
0x30: {  	[sflag:s12] =	ssyncset.done $0x0  }
0x31: {  	[sflag:s12] =	ssyncadd.s32 $0xFFFFE000  }
0x32: {  	_ =	swait.ge [sflag:s12], $0x2000  }
0x33: {  	[sflag:s12] =	ssyncset.done $0x0  }
0x34: {  	[sflag:s12] =	ssyncadd.s32 $0xFFFFE000  }
0x35: {  	[hbm4b:s9+s2] =	stream.linear.scatter [tilespmem:s5], [sflag:$0x2], $0x8000, $0x38;
	[tilespmem:$0x8300] =	vst v63  }
0x36: {  	_ =	swait.ge [sflag:s3], $0x8000  }
0x37: {  	[sflag:s3] =	ssyncset.done $0x0  }
0x38: {  	[sflag:s3] =	ssyncadd.s32 $0xFFFF8000  }
0x39: {  	[tilespmem:s2], [sflag:$0x2] =	stream.linear.gather [hbm4b:s4+s2], $0x100, $0x38;
	[tilespmem:$0x8300] =	vst v63  }
0x3a: {  	_ =	swait.ge [sflag:s3], $0x100  }
0x3b: {  	[sflag:s3] =	ssyncset.done $0x0  }
0x3c: {  	[sflag:s3] =	ssyncadd.s32 $0xFFFFFF00  }
0x3d: {  	v0 =	vld [tilespmem:$0xF0]  }
0x3e: {  	v1 =	vld [tilespmem:$0xB0]  }
0x3f: {  	v2 =	vld [tilespmem:$0xD0]  }
0x40: {  	v3 =	vld [tilespmem:$0xC0]  }
0x41: {  	v4 =	vld [tilespmem:$0x30]  }
0x42: {  	v5 =	vld [tilespmem:$0xA0];
	v0 =	vshra.s32 v0, $0x1  }
0x43: {  	v6 =	vld [tilespmem:$0x90];
	v1 =	vshra.s32 v1, $0x1;
	[tilespmem:$0x2B0] =	vst v0  }
0x44: {  	v0 =	vld [tilespmem:$0x80];
	[tilespmem:$0x230] =	vst v1;
	v1 =	vshra.s32 v2, $0x1  }
0x45: {  	v2 =	vld [tilespmem:$0x70];
	v3 =	vshra.s32 v3, $0x1;
	[tilespmem:$0x290] =	vst v1  }
0x46: {  	v1 =	vshra.s32 v4, $0x1;
	v4 =	vld [tilespmem:$0x60];
	[tilespmem:$0x280] =	vst v3  }
0x47: {  	[tilespmem:$0x130] =	vst v1;
	v1 =	vld [tilespmem:$0x50];
	v3 =	vshra.s32 v5, $0x1  }
0x48: {  	v5 =	vld [tilespmem:$0x40];
	v6 =	vshra.s32 v6, $0x1;
	[tilespmem:$0x220] =	vst v3  }
0x49: {  	v0 =	vshra.s32 v0, $0x1;
	[tilespmem:$0x210] =	vst v6;
	v3 =	vld [tilespmem:$0xE0]  }
0x4a: {  	v6 =	vld [tilespmem:$0x20];
	v2 =	vshra.s32 v2, $0x1;
	[tilespmem:$0x200] =	vst v0  }
0x4b: {  	v0 =	vld [tilespmem:$0x10];
	v4 =	vshra.s32 v4, $0x1;
	[tilespmem:$0x1B0] =	vst v2  }
0x4c: {  	v2 =	vld [tilespmem:$0x0];
	v1 =	vshra.s32 v1, $0x1;
	[tilespmem:$0x1A0] =	vst v4  }
0x4d: {  	v4 =	vshra.s32 v5, $0x1;
	[tilespmem:$0x190] =	vst v1  }
0x4e: {  	[tilespmem:$0x180] =	vst v4;
	v1 =	vshra.s32 v3, $0x1  }
0x4f: {  	v3 =	vshra.s32 v6, $0x1;
	[tilespmem:$0x2A0] =	vst v1  }
0x50: {  	v0 =	vshra.s32 v0, $0x1;
	[tilespmem:$0x120] =	vst v3  }
0x51: {  	v1 =	vshra.s32 v2, $0x1;
	[tilespmem:$0x110] =	vst v0  }
0x52: {  	[tilespmem:$0x100] =	vst v1  }
0x53: {  	[tilespmem:s5], [sflag:$0x1] =	stream.indirect.gather [hbm4b:s6+s7], $0x80, s8, s7, $0xb8;
	[tilespmem:$0x8300] =	vst v63  }
0x54: {  	_ = 	snop  }
0x55: {  	[tilespmem:s11], [sflag:$0x1] =	stream.indirect.gather [hbm4b:s6+s7], $0x80, s10, s7, $0xb8;
	[tilespmem:$0x8300] =	vst v63  }
.Ltmp1:
0x56: {  	_ = 	snop;
	(pc) =	sbr.rel @p0 .LBB2_1-.Ltmp1, $4  }
0x57: {  	_ = 	snop  }
0x58: {  	[tilespmem:s14], [sflag:$0x1] =	stream.indirect.gather [hbm4b:s6+s7], $0x80, s13, s7, $0xb8;
	[tilespmem:$0x8300] =	vst v63  }
0x59: {  	_ = 	snop  }
0x5a: {  	[tilespmem:s16], [sflag:$0x1] =	stream.indirect.gather [hbm4b:s6+s7], $0x80, s15, s7, $0xb8;
	[tilespmem:$0x8300] =	vst v63  }
.LBB2_2:
0x5b: {  	_ =	swait.ge [sflag:s12], $0x2000  }
0x5c: {  	[sflag:s12] =	ssyncset.done $0x0  }
0x5d: {  	[sflag:s12] =	ssyncadd.s32 $0xFFFFE000  }
0x5e: {  	_ =	swait.ge [sflag:s12], $0x2000  }
0x5f: {  	[sflag:s12] =	ssyncset.done $0x0  }
0x60: {  	[sflag:s12] =	ssyncadd.s32 $0xFFFFE000  }
0x61: {  	_ =	swait.ge [sflag:s12], $0x2000  }
0x62: {  	[sflag:s12] =	ssyncset.done $0x0  }
0x63: {  	[sflag:s12] =	ssyncadd.s32 $0xFFFFE000  }
0x64: {  	_ =	swait.ge [sflag:s12], $0x2000  }
0x65: {  	[sflag:s12] =	ssyncset.done $0x0  }
0x66: {  	[sflag:s12] =	ssyncadd.s32 $0xFFFFE000  }
0x67: {  	[hbm4b:s9+s2] =	stream.linear.scatter [tilespmem:s5], [sflag:$0x2], $0x8000, $0x38;
	[tilespmem:$0x8300] =	vst v63  }
0x68: {  	_ =	swait.ge [sflag:s3], $0x8000  }
0x69: {  	[sflag:s3] =	ssyncset.done $0x0  }
0x6a: {  	[sflag:s3] =	ssyncadd.s32 $0xFFFF8000  }
0x6b: {  	_ =	sfence.sel $0x180000  }
0x6c: {  	[bflag:$0x0] =	sbarrier.arrive $0xFFFF  }
0x6d: {  	p0 =	sne.s32 s0, $0x0;
	_ =	strace $0x9000004A  }
0x6e: {  	s0 =	sadd.s32 @!p0 $0x100000, s1;
	[bflag:$0x2] =	sbarrier.arrive $0xFFFF  }
0x6f: {  	[sflag:s0] =	ssyncadd.tile.s32 @!p0 $0x1;
	_ =	shalt  }
.Lfunc_end2:
_tile_overlayer_lowered:
.L_overlay_start_2:
0x70: {  	(tag) =	ssettag $0x2  }
0x71: {  	s0 =	rddreg [dreg:$0x0];
	s2 =	stileid.u32  }
0x72: {  	s1 =	rddreg [dreg:$0x1];
	p0 =	sne.s32 s2, $0x0  }
0x73: {  	s3 =	rddreg [dreg:$0x2];
	[bflag:$0x3] =	sbarrier.arrive $0xFFFF;
	s2 =	simm.s32 @!p0 $0x1C02  }
0x74: {  	[timem:s3], [sflag:s2] =	dma.local @!p0 [hbm:s0], s1  }
0x75: {  	s0 =	simm.s32 @!p0 $0x2  }
0x76: {  	_ =	swait.ge @!p0 [sflag:s0], s1  }
0x77: {  	s1 =	ssub.s32 @!p0 $0x0, s1;
	[sflag:s0] =	ssyncset.done @!p0 $0x0  }
0x78: {  	[sflag:s0] =	ssyncadd.s32 @!p0 s1  }
0x79: {  	[bflag:$0x3] =	sbarrier.arrive $0xFFFF  }
0x7a: {  	_ =	shalt  }

</sc_bundles>
